<compile_context>
chip_gen: v7x
topology: tpu7x:2x2x1
jax: 0.10.2.dev20260603
libtpu: 0.0.44.dev20260713+nightly
codegen_flags: <defaults>
</compile_context>

<pallas_src>
import jax
import jax.numpy as jnp
from jax import lax
from jax.experimental import pallas as pl
from jax.experimental.pallas import tpu as pltpu
from jax.experimental.pallas import tpu_sc as plsc

N = 10000
NP = 10240
E_IN = 320000
ET = E_IN + N
NW = 32
CH = 128
STEPS = -(-ET // (NW * CH))
PE = NW * CH * STEPS
ROWS_PER_SUB = NP // 16

_f32 = jnp.float32
_HI = lax.Precision.HIGHEST


def _tc1_body(x_ref, w_ref, a_ref, h_ref, t_ref):
    h = jnp.dot(x_ref[...], w_ref[...], precision=_HI,
                preferred_element_type=_f32)
    h_ref[...] = h
    t_ref[...] = jnp.dot(h, a_ref[...], precision=_HI,
                         preferred_element_type=_f32)


def _tc_stage1(xp, W1, A):
    B = 2048
    return pl.pallas_call(
        _tc1_body,
        grid=(NP // B,),
        in_specs=[
            pl.BlockSpec((B, 128), lambda i: (i, 0)),
            pl.BlockSpec((128, 128), lambda i: (0, 0)),
            pl.BlockSpec((128, 16), lambda i: (0, 0)),
        ],
        out_specs=[
            pl.BlockSpec((B, 128), lambda i: (i, 0)),
            pl.BlockSpec((B, 16), lambda i: (i, 0)),
        ],
        out_shape=[
            jax.ShapeDtypeStruct((NP, 128), _f32),
            jax.ShapeDtypeStruct((NP, 16), _f32),
        ],
    )(xp, W1, A)


def _tc2_body(op_ref, dp_ref, b1_ref, e_ref, m_ref, t2_ref):
    o = op_ref[0] + op_ref[1]
    den = dp_ref[0] + dp_ref[1]
    den128 = jnp.dot(den, e_ref[...], precision=_HI,
                     preferred_element_type=_f32)
    z = o / (den128 + 1e-16) + b1_ref[...]
    z = jnp.where(z > 0, z, jnp.exp(jnp.minimum(z, 0.0)) - 1.0)
    t2_ref[...] = jnp.dot(z, m_ref[...], precision=_HI,
                          preferred_element_type=_f32)


def _tc_stage2(outp, denp, b1, Eexp, M):
    B = 2048
    return pl.pallas_call(
        _tc2_body,
        grid=(NP // B,),
        in_specs=[
            pl.BlockSpec((2, B, 128), lambda i: (0, i, 0)),
            pl.BlockSpec((2, B, 16), lambda i: (0, i, 0)),
            pl.BlockSpec((1, 128), lambda i: (0, 0)),
            pl.BlockSpec((16, 128), lambda i: (0, 0)),
            pl.BlockSpec((128, 16), lambda i: (0, 0)),
        ],
        out_specs=pl.BlockSpec((B, 16), lambda i: (i, 0)),
        out_shape=jax.ShapeDtypeStruct((NP, 16), _f32),
    )(outp, denp, b1, Eexp, M)


def _tc3_body(ap_ref, b2_ref, o_ref):
    a = ap_ref[0] + ap_ref[1]
    r = a[:, 1:2] / (a[:, 0:1] + 1e-16) + b2_ref[0, 0]
    s = 1.0 / (1.0 + jnp.exp(-r))
    o_ref[...] = jnp.broadcast_to(s, o_ref.shape)


def _tc_stage3(accp, b2v):
    B = 2048
    return pl.pallas_call(
        _tc3_body,
        grid=(NP // B,),
        in_specs=[
            pl.BlockSpec((2, B, 16), lambda i: (0, i, 0)),
            pl.BlockSpec((1, 16), lambda i: (0, 0)),
        ],
        out_specs=pl.BlockSpec((B, 16), lambda i: (i, 0)),
        out_shape=jax.ShapeDtypeStruct((NP, 16), _f32),
    )(accp, b2v)


def _iota16():
    return lax.iota(jnp.int32, 16)


_DG_DNUMS = lax.GatherDimensionNumbers(
    offset_dims=(), collapsed_slice_dims=(0,), start_index_map=(0,))


def _dg(v, idx):
    return lax.gather(v, idx[:, None], _DG_DNUMS, slice_sizes=(1,),
                      mode=lax.GatherScatterMode.PROMISE_IN_BOUNDS)


def _zero_vmem_rows(ref, nrows, width16):
    z = jnp.zeros((16,), _f32)

    @pl.loop(0, nrows)
    def _(i):
        for j in range(width16):
            ref[i, pl.ds(j * 16, 16)] = z


def _sc1_kernel(T_hbm, h_hbm, src_hbm, dst_hbm, c_hbm,
                out_hbm, den_hbm,
                out_sh, den_sh,
                srcv, dstv, Tsrc, Tdst, wv, hE, cv):
    cid = lax.axis_index("c")
    sid = lax.axis_index("s")
    wid = cid * 16 + sid

    _zero_vmem_rows(hE, CH, 8)
    _zero_vmem_rows(wv, CH, 1)
    r0 = sid * ROWS_PER_SUB
    for k in range(ROWS_PER_SUB // CH):
        pltpu.sync_copy(hE, out_sh.at[pl.ds(r0 + k * CH, CH)])
        pltpu.sync_copy(wv, den_sh.at[pl.ds(r0 + k * CH, CH)])
    pltpu.sync_copy(c_hbm, cv)
    plsc.subcore_barrier()

    cvec = cv[0]
    shift8 = (_iota16() & 7) + 8
    base = wid * STEPS * CH

    @pl.loop(0, STEPS)
    def _(g):
        off = base + g * CH
        pltpu.sync_copy(src_hbm.at[pl.ds(off, CH)], srcv)
        pltpu.sync_copy(dst_hbm.at[pl.ds(off, CH)], dstv)
        pltpu.sync_copy(T_hbm.at[srcv], Tsrc)
        pltpu.sync_copy(T_hbm.at[dstv], Tdst)
        pltpu.sync_copy(h_hbm.at[srcv], hE)

        @pl.loop(0, CH)
        def _(i):
            e = Tsrc[i] + _dg(Tdst[i], shift8)
            e = jnp.maximum(e, 0.2 * e)
            wv[i] = jnp.exp(e - cvec)

        pltpu.sync_copy(wv, den_sh.at[dstv], add=True)

        @pl.loop(0, CH)
        def _(i):
            wrow = wv[i]
            for hd in range(8):
                sp = _dg(wrow, jnp.full((16,), hd, jnp.int32))
                hE[i, pl.ds(hd * 16, 16)] = hE[i, pl.ds(hd * 16, 16)] * sp

        pltpu.sync_copy(hE, out_sh.at[dstv], add=True)

    plsc.subcore_barrier()
    pltpu.sync_copy(out_sh.at[pl.ds(r0, ROWS_PER_SUB)],
                    out_hbm.at[cid, pl.ds(r0, ROWS_PER_SUB)])
    pltpu.sync_copy(den_sh.at[pl.ds(r0, ROWS_PER_SUB)],
                    den_hbm.at[cid, pl.ds(r0, ROWS_PER_SUB)])


_SC_PARAMS = pltpu.CompilerParams(use_tc_tiling_on_sc=False)


def _sc_layer1(T1, h1, src, dst, c16):
    mesh = plsc.VectorSubcoreMesh(core_axis_name="c", subcore_axis_name="s")
    return pl.kernel(
        _sc1_kernel,
        out_type=(jax.ShapeDtypeStruct((2, NP, 128), _f32),
                  jax.ShapeDtypeStruct((2, NP, 16), _f32)),
        mesh=mesh,
        scratch_types=[
            pltpu.VMEM_SHARED((NP, 128), _f32),
            pltpu.VMEM_SHARED((NP, 16), _f32),
            pltpu.VMEM((CH,), jnp.int32),
            pltpu.VMEM((CH,), jnp.int32),
            pltpu.VMEM((CH, 16), _f32),
            pltpu.VMEM((CH, 16), _f32),
            pltpu.VMEM((CH, 16), _f32),
            pltpu.VMEM((CH, 128), _f32),
            pltpu.VMEM((1, 16), _f32),
        ],
        compiler_params=_SC_PARAMS,
    )(T1, h1, src, dst, c16)


def _sc2_kernel(T_hbm, src_hbm, dst_hbm, c_hbm,
                acc_hbm,
                acc_sh, T_sh,
                srcv, dstv, Tsrc, Tdst, rowv, cv):
    cid = lax.axis_index("c")
    sid = lax.axis_index("s")
    wid = cid * 16 + sid

    _zero_vmem_rows(rowv, CH, 1)
    r0 = sid * ROWS_PER_SUB
    for k in range(ROWS_PER_SUB // CH):
        pltpu.sync_copy(rowv, acc_sh.at[pl.ds(r0 + k * CH, CH)])
    pltpu.sync_copy(T_hbm.at[pl.ds(r0, ROWS_PER_SUB)],
                    T_sh.at[pl.ds(r0, ROWS_PER_SUB)])
    pltpu.sync_copy(c_hbm, cv)
    plsc.subcore_barrier()

    cvec = cv[0]
    ii = _iota16()
    ones_i = jnp.full((16,), 1, jnp.int32)
    zeros_i = jnp.full((16,), 0, jnp.int32)
    twos_i = jnp.full((16,), 2, jnp.int32)
    onehot0 = jnp.where(ii == 0, 1.0, 0.0).astype(_f32)
    base = wid * STEPS * CH

    @pl.loop(0, STEPS)
    def _(g):
        off = base + g * CH
        pltpu.sync_copy(src_hbm.at[pl.ds(off, CH)], srcv)
        pltpu.sync_copy(dst_hbm.at[pl.ds(off, CH)], dstv)
        pltpu.sync_copy(T_sh.at[srcv], Tsrc)
        pltpu.sync_copy(T_sh.at[dstv], Tdst)

        @pl.loop(0, CH)
        def _(i):
            s = Tsrc[i]
            t = s + _dg(Tdst[i], ones_i)
            t = jnp.maximum(t, 0.2 * t)
            u = jnp.exp(t - cvec)
            wspl = _dg(u, zeros_i)
            hspl = _dg(s, twos_i)
            rowv[i] = wspl * jnp.where(ii == 1, hspl, onehot0)

        pltpu.sync_copy(rowv, acc_sh.at[dstv], add=True)

    plsc.subcore_barrier()
    pltpu.sync_copy(acc_sh.at[pl.ds(r0, ROWS_PER_SUB)],
                    acc_hbm.at[cid, pl.ds(r0, ROWS_PER_SUB)])


def _sc_layer2(T2, src, dst, c2v):
    mesh = plsc.VectorSubcoreMesh(core_axis_name="c", subcore_axis_name="s")
    return pl.kernel(
        _sc2_kernel,
        out_type=jax.ShapeDtypeStruct((2, NP, 16), _f32),
        mesh=mesh,
        scratch_types=[
            pltpu.VMEM_SHARED((NP, 16), _f32),
            pltpu.VMEM_SHARED((NP, 16), _f32),
            pltpu.VMEM((CH,), jnp.int32),
            pltpu.VMEM((CH,), jnp.int32),
            pltpu.VMEM((CH, 16), _f32),
            pltpu.VMEM((CH, 16), _f32),
            pltpu.VMEM((CH, 16), _f32),
            pltpu.VMEM((1, 16), _f32),
        ],
        compiler_params=_SC_PARAMS,
    )(T2, src, dst, c2v)


def kernel(x, edge_index, W1, a_src1, a_dst1, b1, W2, a_src2, a_dst2, b2):
    xp = jnp.zeros((NP, 128), _f32).at[:N].set(x)
    loop = jnp.arange(N, dtype=jnp.int32)
    src = jnp.concatenate([edge_index[0].astype(jnp.int32), loop])
    dst = jnp.concatenate([edge_index[1].astype(jnp.int32), loop])
    pad = jnp.full((PE - ET,), N, jnp.int32)
    src = jnp.concatenate([src, pad])
    dst = jnp.concatenate([dst, pad])

    rows = jnp.arange(128)
    A = jnp.zeros((128, 16), _f32)
    A = A.at[rows, rows // 16].set(a_src1.reshape(128))
    A = A.at[rows, 8 + rows // 16].set(a_dst1.reshape(128))

    h1, T1 = _tc_stage1(xp, W1, A)
    c1 = T1[:, :8].max(0) + T1[:, 8:].max(0)
    c16 = jnp.concatenate([c1, jnp.full((8,), 1e30, _f32)]).reshape(1, 16)

    outp, denp = _sc_layer1(T1, h1, src, dst, c16)

    Eexp = jnp.zeros((16, 128), _f32).at[rows // 16, rows].set(1.0)
    v = jnp.concatenate([a_src2.reshape(1), a_dst2.reshape(1),
                         jnp.ones((1,), _f32), jnp.zeros((13,), _f32)])
    M = W2 * v[None, :]
    T2 = _tc_stage2(outp, denp, b1.reshape(1, 128), Eexp, M)
    c2 = T2[:, 0].max() + T2[:, 1].max()
    c2v = jnp.full((1, 16), 1e30, _f32).at[0, 0].set(c2)

    accp = _sc_layer2(T2, src, dst, c2v)

    res = _tc_stage3(accp, b2.reshape(1, 1) * jnp.ones((1, 16), _f32))
    return res[:N, 0:1]

# --- scband reference (transcript-rebuilt; emitter-appended) ---
"""Pipeline reference for scband-e8-simplifier-54812372632388 (READ-ONLY COPY).

The authoritative reference and input builder live on the scoring server;
editing this copy changes nothing except your own understanding.
"""

import jax, jax.numpy as jnp
import numpy as np


def gat_layer(x, edge_index, W, a_src, a_dst, bias, heads, out_ch, concat):
    N = x.shape[0]
    loop = jnp.arange(N, dtype=edge_index.dtype)
    src = jnp.concatenate([edge_index[0], loop])
    dst = jnp.concatenate([edge_index[1], loop])
    h = (x @ W).reshape(N, heads, out_ch)
    alpha_s = (h * a_src[None]).sum(-1)
    alpha_d = (h * a_dst[None]).sum(-1)
    e = alpha_s[src] + alpha_d[dst]
    e = jax.nn.leaky_relu(e, negative_slope=0.2)
    e_max = jax.ops.segment_max(e, dst, num_segments=N)
    e_exp = jnp.exp(e - e_max[dst])
    denom = jax.ops.segment_sum(e_exp, dst, num_segments=N)
    alpha = e_exp / (denom[dst] + 1e-16)
    msg = h[src] * alpha[:, :, None]
    out = jax.ops.segment_sum(msg, dst, num_segments=N)
    if concat:
        out = out.reshape(N, heads * out_ch)
    else:
        out = out.mean(axis=1)
    return out + bias


def setup_inputs(seed: int = 0):
    key = jax.random.key(seed)
    ks = jax.random.split(key, 10)
    N, E, d_in = 10000, 320000, 128
    x = jax.random.normal(ks[0], (N, d_in), dtype=jnp.float32)
    edge_index = jax.random.randint(ks[1], (2, E), 0, N)
    W1 = jax.random.normal(ks[2], (d_in, 128), dtype=jnp.float32) * (1.0 / np.sqrt(d_in))
    a_src1 = jax.random.normal(ks[3], (8, 16), dtype=jnp.float32) * 0.1
    a_dst1 = jax.random.normal(ks[4], (8, 16), dtype=jnp.float32) * 0.1
    b1 = jnp.zeros((128,), dtype=jnp.float32)
    W2 = jax.random.normal(ks[5], (128, 1), dtype=jnp.float32) * (1.0 / np.sqrt(128))
    a_src2 = jax.random.normal(ks[6], (1, 1), dtype=jnp.float32) * 0.1
    a_dst2 = jax.random.normal(ks[7], (1, 1), dtype=jnp.float32) * 0.1
    b2 = jnp.zeros((1,), dtype=jnp.float32)
    return {"x": x, "edge_index": edge_index, "W1": W1, "a_src1": a_src1,
            "a_dst1": a_dst1, "b1": b1, "W2": W2, "a_src2": a_src2,
            "a_dst2": a_dst2, "b2": b2}


def reference(x, edge_index, W1, a_src1, a_dst1, b1, W2, a_src2, a_dst2, b2):
    # GATConv layer 1: in=128, out=16, heads=8, concat -> 128; ELU
    h = jax.nn.elu(gat_layer(x, edge_index, W1, a_src1, a_dst1, b1, 8, 16, True))
    # GATConv layer 2: in=128, out=1, heads=1, concat=False
    out = gat_layer(h, edge_index, W2, a_src2, a_dst2, b2, 1, 1, False)
    return jax.nn.sigmoid(out)

if __name__ == "__main__":
    import jax
    _d = setup_inputs()
    print(jax.jit(kernel)(*tuple(_d.values())))

</pallas_src>

<mosaic_0001>
#map = affine_map<(d0, d1) -> (0, 0)>
#map1 = affine_map<(d0, d1) -> (0)>
#map2 = affine_map<(d0, d1) -> (0, 0, 0)>
module attributes {stable_mosaic.version = 14 : i64} {
  func.func @_sc2_kernel(%arg0: i32, %arg1: i32, %arg2: memref<10240x16xf32, #tpu.memory_space<hbm>>, %arg3: memref<331776xi32, #tpu.memory_space<hbm>>, %arg4: memref<331776xi32, #tpu.memory_space<hbm>>, %arg5: memref<1x16xf32, #tpu.memory_space<hbm>>, %arg6: memref<2x10240x16xf32, #tpu.memory_space<hbm>>, %arg7: memref<10240x16xf32, #tpu.memory_space<vmem_shared>>, %arg8: memref<10240x16xf32, #tpu.memory_space<vmem_shared>>, %arg9: memref<128xi32, #tpu.memory_space<vmem>>, %arg10: memref<128xi32, #tpu.memory_space<vmem>>, %arg11: memref<128x16xf32, #tpu.memory_space<vmem>>, %arg12: memref<128x16xf32, #tpu.memory_space<vmem>>, %arg13: memref<128x16xf32, #tpu.memory_space<vmem>>, %arg14: memref<1x16xf32, #tpu.memory_space<vmem>>) attributes {dimension_semantics = [#tpu.dimension_semantics<core_parallel>, #tpu.dimension_semantics<subcore_parallel>], iteration_bounds = array<i64: 2, 16>, scalar_prefetch = 0 : i64, scratch_operands = 8 : i64, tpu.core_type = #tpu.core_type<sc_vector_subcore>, window_params = [{transform_indices = #map}, {transform_indices = #map1}, {transform_indices = #map1}, {transform_indices = #map}, {transform_indices = #map2}]} {
    %mul3A = arith.constant 16 : i32
    %mul3A_0 = arith.muli %arg0, %mul3A : i32
    %add3A = arith.addi %mul3A_0, %arg1 : i32
    %broadcast_in_dim3A = arith.constant 0.000000e+00 : f32
    %broadcast_in_dim3A_1 = vector.broadcast %broadcast_in_dim3A : f32 to vector<16xf32>
    %scan3A = arith.constant 0 : i32
    %scan3A_2 = arith.constant 128 : i32
    %scan3A_3 = arith.addi %scan3A, %scan3A_2 : i32
    %scan3A_4 = arith.constant 1 : i32
    scf.for %scan3A_43 = %scan3A to %scan3A_3 step %scan3A_4  : i32 {
      %mul3A_44 = arith.constant 1 : i32
      %mul3A_45 = arith.muli %scan3A_43, %mul3A_44 : i32
      %add3A_46 = arith.constant 0 : i32
      %add3A_47 = arith.addi %add3A_46, %mul3A_45 : i32
      %swap3A = arith.index_cast %add3A_47 : i32 to index
      %swap3A_48 = arith.constant 0 : index
      %swap3A_49 = tpu.vector_load %arg13[%swap3A, %swap3A_48] {strides = array<i32>} : memref<128x16xf32, #tpu.memory_space<vmem>>, vector<1x16xf32>,
      %swap3A_50 = vector.shape_cast %swap3A_49 : vector<1x16xf32> to vector<16xf32>
      %swap3A_51 = vector.shape_cast %broadcast_in_dim3A_1 : vector<16xf32> to vector<1x16xf32>
      tpu.vector_store %arg13[%swap3A, %swap3A_48], %swap3A_51 {strides = array<i32>} : memref<128x16xf32, #tpu.memory_space<vmem>>, vector<1x16xf32>,
    }
    %scan3A_5 = arith.constant 128 : i32
    %mul3A_6 = arith.constant 640 : i32
    %mul3A_7 = arith.muli %arg1, %mul3A_6 : i32
    %add3A_8 = arith.constant 0 : i32
    %add3A_9 = arith.addi %mul3A_7, %add3A_8 : i32
    "tpu.region"() ({
      %run_scoped3A = tpu.sem_alloc : memref<!tpu.dma_semaphore, #tpu.memory_space<semaphore_mem>>
      %dma_start3A = arith.constant 0 : i32
      %dma_start3A_43 = tpu.memref_slice %arg7[%add3A_9, %dma_start3A] : memref<10240x16xf32, #tpu.memory_space<vmem_shared>> -> memref<128x16xf32, #tpu.memory_space<vmem_shared>>
      %dma_start3A_44 = arith.constant 0 : i32
      %dma_start3A_45 = tpu.memref_slice %arg7[%add3A_9, %dma_start3A_44] : memref<10240x16xf32, #tpu.memory_space<vmem_shared>> -> memref<128x16xf32, #tpu.memory_space<vmem_shared>>
      tpu.enqueue_dma source(%arg13 : memref<128x16xf32, #tpu.memory_space<vmem>>) target(%dma_start3A_45 : memref<128x16xf32, #tpu.memory_space<vmem_shared>>) target_semaphore(%run_scoped3A : memref<!tpu.dma_semaphore, #tpu.memory_space<semaphore_mem>>)
      %dma_wait3A = arith.constant 0 : i32
      %dma_wait3A_46 = tpu.memref_slice %arg7[%add3A_9, %dma_wait3A] : memref<10240x16xf32, #tpu.memory_space<vmem_shared>> -> memref<128x16xf32, #tpu.memory_space<vmem_shared>>
      %dma_wait3A_47 = arith.constant 0 : i32
      %dma_wait3A_48 = tpu.memref_slice %arg7[%add3A_9, %dma_wait3A_47] : memref<10240x16xf32, #tpu.memory_space<vmem_shared>> -> memref<128x16xf32, #tpu.memory_space<vmem_shared>>
      tpu.wait_dma2 semaphore(%run_scoped3A : memref<!tpu.dma_semaphore, #tpu.memory_space<semaphore_mem>>) src(%arg13 : memref<128x16xf32, #tpu.memory_space<vmem>>) dst(%dma_wait3A_48 : memref<128x16xf32, #tpu.memory_space<vmem_shared>>)
      tpu.yield
    }) : () -> ()
    %add3A_10 = arith.constant 128 : i32
    %add3A_11 = arith.addi %mul3A_7, %add3A_10 : i32
    "tpu.region"() ({
      %run_scoped3A = tpu.sem_alloc : memref<!tpu.dma_semaphore, #tpu.memory_space<semaphore_mem>>
      %dma_start3A = arith.constant 0 : i32
      %dma_start3A_43 = tpu.memref_slice %arg7[%add3A_11, %dma_start3A] : memref<10240x16xf32, #tpu.memory_space<vmem_shared>> -> memref<128x16xf32, #tpu.memory_space<vmem_shared>>
      %dma_start3A_44 = arith.constant 0 : i32
      %dma_start3A_45 = tpu.memref_slice %arg7[%add3A_11, %dma_start3A_44] : memref<10240x16xf32, #tpu.memory_space<vmem_shared>> -> memref<128x16xf32, #tpu.memory_space<vmem_shared>>
      tpu.enqueue_dma source(%arg13 : memref<128x16xf32, #tpu.memory_space<vmem>>) target(%dma_start3A_45 : memref<128x16xf32, #tpu.memory_space<vmem_shared>>) target_semaphore(%run_scoped3A : memref<!tpu.dma_semaphore, #tpu.memory_space<semaphore_mem>>)
      %dma_wait3A = arith.constant 0 : i32
      %dma_wait3A_46 = tpu.memref_slice %arg7[%add3A_11, %dma_wait3A] : memref<10240x16xf32, #tpu.memory_space<vmem_shared>> -> memref<128x16xf32, #tpu.memory_space<vmem_shared>>
      %dma_wait3A_47 = arith.constant 0 : i32
      %dma_wait3A_48 = tpu.memref_slice %arg7[%add3A_11, %dma_wait3A_47] : memref<10240x16xf32, #tpu.memory_space<vmem_shared>> -> memref<128x16xf32, #tpu.memory_space<vmem_shared>>
      tpu.wait_dma2 semaphore(%run_scoped3A : memref<!tpu.dma_semaphore, #tpu.memory_space<semaphore_mem>>) src(%arg13 : memref<128x16xf32, #tpu.memory_space<vmem>>) dst(%dma_wait3A_48 : memref<128x16xf32, #tpu.memory_space<vmem_shared>>)
      tpu.yield
    }) : () -> ()
    %add3A_12 = arith.constant 256 : i32
    %add3A_13 = arith.addi %mul3A_7, %add3A_12 : i32
    "tpu.region"() ({
      %run_scoped3A = tpu.sem_alloc : memref<!tpu.dma_semaphore, #tpu.memory_space<semaphore_mem>>
      %dma_start3A = arith.constant 0 : i32
      %dma_start3A_43 = tpu.memref_slice %arg7[%add3A_13, %dma_start3A] : memref<10240x16xf32, #tpu.memory_space<vmem_shared>> -> memref<128x16xf32, #tpu.memory_space<vmem_shared>>
      %dma_start3A_44 = arith.constant 0 : i32
      %dma_start3A_45 = tpu.memref_slice %arg7[%add3A_13, %dma_start3A_44] : memref<10240x16xf32, #tpu.memory_space<vmem_shared>> -> memref<128x16xf32, #tpu.memory_space<vmem_shared>>
      tpu.enqueue_dma source(%arg13 : memref<128x16xf32, #tpu.memory_space<vmem>>) target(%dma_start3A_45 : memref<128x16xf32, #tpu.memory_space<vmem_shared>>) target_semaphore(%run_scoped3A : memref<!tpu.dma_semaphore, #tpu.memory_space<semaphore_mem>>)
      %dma_wait3A = arith.constant 0 : i32
      %dma_wait3A_46 = tpu.memref_slice %arg7[%add3A_13, %dma_wait3A] : memref<10240x16xf32, #tpu.memory_space<vmem_shared>> -> memref<128x16xf32, #tpu.memory_space<vmem_shared>>
      %dma_wait3A_47 = arith.constant 0 : i32
      %dma_wait3A_48 = tpu.memref_slice %arg7[%add3A_13, %dma_wait3A_47] : memref<10240x16xf32, #tpu.memory_space<vmem_shared>> -> memref<128x16xf32, #tpu.memory_space<vmem_shared>>
      tpu.wait_dma2 semaphore(%run_scoped3A : memref<!tpu.dma_semaphore, #tpu.memory_space<semaphore_mem>>) src(%arg13 : memref<128x16xf32, #tpu.memory_space<vmem>>) dst(%dma_wait3A_48 : memref<128x16xf32, #tpu.memory_space<vmem_shared>>)
      tpu.yield
    }) : () -> ()
    %add3A_14 = arith.constant 384 : i32
    %add3A_15 = arith.addi %mul3A_7, %add3A_14 : i32
    "tpu.region"() ({
      %run_scoped3A = tpu.sem_alloc : memref<!tpu.dma_semaphore, #tpu.memory_space<semaphore_mem>>
      %dma_start3A = arith.constant 0 : i32
      %dma_start3A_43 = tpu.memref_slice %arg7[%add3A_15, %dma_start3A] : memref<10240x16xf32, #tpu.memory_space<vmem_shared>> -> memref<128x16xf32, #tpu.memory_space<vmem_shared>>
      %dma_start3A_44 = arith.constant 0 : i32
      %dma_start3A_45 = tpu.memref_slice %arg7[%add3A_15, %dma_start3A_44] : memref<10240x16xf32, #tpu.memory_space<vmem_shared>> -> memref<128x16xf32, #tpu.memory_space<vmem_shared>>
      tpu.enqueue_dma source(%arg13 : memref<128x16xf32, #tpu.memory_space<vmem>>) target(%dma_start3A_45 : memref<128x16xf32, #tpu.memory_space<vmem_shared>>) target_semaphore(%run_scoped3A : memref<!tpu.dma_semaphore, #tpu.memory_space<semaphore_mem>>)
      %dma_wait3A = arith.constant 0 : i32
      %dma_wait3A_46 = tpu.memref_slice %arg7[%add3A_15, %dma_wait3A] : memref<10240x16xf32, #tpu.memory_space<vmem_shared>> -> memref<128x16xf32, #tpu.memory_space<vmem_shared>>
      %dma_wait3A_47 = arith.constant 0 : i32
      %dma_wait3A_48 = tpu.memref_slice %arg7[%add3A_15, %dma_wait3A_47] : memref<10240x16xf32, #tpu.memory_space<vmem_shared>> -> memref<128x16xf32, #tpu.memory_space<vmem_shared>>
      tpu.wait_dma2 semaphore(%run_scoped3A : memref<!tpu.dma_semaphore, #tpu.memory_space<semaphore_mem>>) src(%arg13 : memref<128x16xf32, #tpu.memory_space<vmem>>) dst(%dma_wait3A_48 : memref<128x16xf32, #tpu.memory_space<vmem_shared>>)
      tpu.yield
    }) : () -> ()
    %add3A_16 = arith.constant 512 : i32
    %add3A_17 = arith.addi %mul3A_7, %add3A_16 : i32
    "tpu.region"() ({
      %run_scoped3A = tpu.sem_alloc : memref<!tpu.dma_semaphore, #tpu.memory_space<semaphore_mem>>
      %dma_start3A = arith.constant 0 : i32
      %dma_start3A_43 = tpu.memref_slice %arg7[%add3A_17, %dma_start3A] : memref<10240x16xf32, #tpu.memory_space<vmem_shared>> -> memref<128x16xf32, #tpu.memory_space<vmem_shared>>
      %dma_start3A_44 = arith.constant 0 : i32
      %dma_start3A_45 = tpu.memref_slice %arg7[%add3A_17, %dma_start3A_44] : memref<10240x16xf32, #tpu.memory_space<vmem_shared>> -> memref<128x16xf32, #tpu.memory_space<vmem_shared>>
      tpu.enqueue_dma source(%arg13 : memref<128x16xf32, #tpu.memory_space<vmem>>) target(%dma_start3A_45 : memref<128x16xf32, #tpu.memory_space<vmem_shared>>) target_semaphore(%run_scoped3A : memref<!tpu.dma_semaphore, #tpu.memory_space<semaphore_mem>>)
      %dma_wait3A = arith.constant 0 : i32
      %dma_wait3A_46 = tpu.memref_slice %arg7[%add3A_17, %dma_wait3A] : memref<10240x16xf32, #tpu.memory_space<vmem_shared>> -> memref<128x16xf32, #tpu.memory_space<vmem_shared>>
      %dma_wait3A_47 = arith.constant 0 : i32
      %dma_wait3A_48 = tpu.memref_slice %arg7[%add3A_17, %dma_wait3A_47] : memref<10240x16xf32, #tpu.memory_space<vmem_shared>> -> memref<128x16xf32, #tpu.memory_space<vmem_shared>>
      tpu.wait_dma2 semaphore(%run_scoped3A : memref<!tpu.dma_semaphore, #tpu.memory_space<semaphore_mem>>) src(%arg13 : memref<128x16xf32, #tpu.memory_space<vmem>>) dst(%dma_wait3A_48 : memref<128x16xf32, #tpu.memory_space<vmem_shared>>)
      tpu.yield
    }) : () -> ()
    "tpu.region"() ({
      %run_scoped3A = tpu.sem_alloc : memref<!tpu.dma_semaphore, #tpu.memory_space<semaphore_mem>>
      %dma_start3A = arith.constant 0 : i32
      %dma_start3A_43 = tpu.memref_slice %arg8[%mul3A_7, %dma_start3A] : memref<10240x16xf32, #tpu.memory_space<vmem_shared>> -> memref<640x16xf32, #tpu.memory_space<vmem_shared>>
      %dma_start3A_44 = arith.constant 0 : i32
      %dma_start3A_45 = tpu.memref_slice %arg2[%mul3A_7, %dma_start3A_44] : memref<10240x16xf32, #tpu.memory_space<hbm>> -> memref<640x16xf32, #tpu.memory_space<hbm>>
      tpu.enqueue_dma source(%dma_start3A_45 : memref<640x16xf32, #tpu.memory_space<hbm>>) target(%dma_start3A_43 : memref<640x16xf32, #tpu.memory_space<vmem_shared>>) target_semaphore(%run_scoped3A : memref<!tpu.dma_semaphore, #tpu.memory_space<semaphore_mem>>)
      %dma_wait3A = arith.constant 0 : i32
      %dma_wait3A_46 = tpu.memref_slice %arg8[%mul3A_7, %dma_wait3A] : memref<10240x16xf32, #tpu.memory_space<vmem_shared>> -> memref<640x16xf32, #tpu.memory_space<vmem_shared>>
      %dma_wait3A_47 = arith.constant 0 : i32
      %dma_wait3A_48 = tpu.memref_slice %arg2[%mul3A_7, %dma_wait3A_47] : memref<10240x16xf32, #tpu.memory_space<hbm>> -> memref<640x16xf32, #tpu.memory_space<hbm>>
      tpu.wait_dma2 semaphore(%run_scoped3A : memref<!tpu.dma_semaphore, #tpu.memory_space<semaphore_mem>>) src(%dma_wait3A_48 : memref<640x16xf32, #tpu.memory_space<hbm>>) dst(%dma_wait3A_46 : memref<640x16xf32, #tpu.memory_space<vmem_shared>>)
      tpu.yield
    }) : () -> ()
    "tpu.region"() ({
      %run_scoped3A = tpu.sem_alloc : memref<!tpu.dma_semaphore, #tpu.memory_space<semaphore_mem>>
      tpu.enqueue_dma source(%arg5 : memref<1x16xf32, #tpu.memory_space<hbm>>) target(%arg14 : memref<1x16xf32, #tpu.memory_space<vmem>>) target_semaphore(%run_scoped3A : memref<!tpu.dma_semaphore, #tpu.memory_space<semaphore_mem>>)
      tpu.wait_dma2 semaphore(%run_scoped3A : memref<!tpu.dma_semaphore, #tpu.memory_space<semaphore_mem>>) src(%arg5 : memref<1x16xf32, #tpu.memory_space<hbm>>) dst(%arg14 : memref<1x16xf32, #tpu.memory_space<vmem>>)
      tpu.yield
    }) : () -> ()
    %barrier3A = arith.constant 0 : index
    tpu.barrier barrier_id(%barrier3A)
    %get3A = arith.constant 0 : i32
    %get3A_18 = arith.index_cast %get3A : i32 to index
    %get3A_19 = arith.constant 0 : index
    %get3A_20 = tpu.vector_load %arg14[%get3A_18, %get3A_19] {strides = array<i32>} : memref<1x16xf32, #tpu.memory_space<vmem>>, vector<1x16xf32>,
    %get3A_21 = vector.shape_cast %get3A_20 : vector<1x16xf32> to vector<16xf32>
    %iota3A = tpu.iota {dimensions = array<i32: 0>} : vector<16xi32>
    %broadcast_in_dim3A_22 = arith.constant 1 : i32
    %broadcast_in_dim3A_23 = vector.broadcast %broadcast_in_dim3A_22 : i32 to vector<16xi32>
    %broadcast_in_dim3A_24 = arith.constant 0 : i32
    %broadcast_in_dim3A_25 = vector.broadcast %broadcast_in_dim3A_24 : i32 to vector<16xi32>
    %broadcast_in_dim3A_26 = arith.constant 2 : i32
    %broadcast_in_dim3A_27 = vector.broadcast %broadcast_in_dim3A_26 : i32 to vector<16xi32>
    %eq3A = arith.constant 0 : i32
    %eq3A_28 = vector.broadcast %eq3A : i32 to vector<16xi32>
    %eq3A_29 = arith.cmpi eq, %iota3A, %eq3A_28 : vector<16xi32>
    %jit3A = arith.constant 1.000000e+00 : f32
    %jit3A_30 = arith.constant 0.000000e+00 : f32
    %broadcast_in_dim3A_31 = vector.broadcast %jit3A : f32 to vector<16xf32>
    %broadcast_in_dim3A_32 = vector.broadcast %jit3A_30 : f32 to vector<16xf32>
    %select_n3A = arith.select %eq3A_29, %broadcast_in_dim3A_31, %broadcast_in_dim3A_32 : vector<16xi1>, vector<16xf32>
    %mul3A_33 = arith.constant 81 : i32
    %mul3A_34 = arith.muli %add3A, %mul3A_33 : i32
    %mul3A_35 = arith.constant 128 : i32
    %mul3A_36 = arith.muli %mul3A_34, %mul3A_35 : i32
    %scan3A_37 = arith.constant 0 : i32
    %scan3A_38 = arith.constant 81 : i32
    %scan3A_39 = arith.addi %scan3A_37, %scan3A_38 : i32
    %scan3A_40 = arith.constant 1 : i32
    scf.for %scan3A_43 = %scan3A_37 to %scan3A_39 step %scan3A_40  : i32 {
      %mul3A_44 = arith.constant 1 : i32
      %mul3A_45 = arith.muli %scan3A_43, %mul3A_44 : i32
      %add3A_46 = arith.constant 0 : i32
      %add3A_47 = arith.addi %add3A_46, %mul3A_45 : i32
      %mul3A_48 = arith.constant 128 : i32
      %mul3A_49 = arith.muli %add3A_47, %mul3A_48 : i32
      %add3A_50 = arith.addi %mul3A_36, %mul3A_49 : i32
      "tpu.region"() ({
        %run_scoped3A = tpu.sem_alloc : memref<!tpu.dma_semaphore, #tpu.memory_space<semaphore_mem>>
        %dma_start3A = tpu.memref_slice %arg3[%add3A_50] : memref<331776xi32, #tpu.memory_space<hbm>> -> memref<128xi32, #tpu.memory_space<hbm>>
        %dma_start3A_56 = tpu.memref_slice %arg3[%add3A_50] : memref<331776xi32, #tpu.memory_space<hbm>> -> memref<128xi32, #tpu.memory_space<hbm>>
        tpu.enqueue_dma source(%dma_start3A_56 : memref<128xi32, #tpu.memory_space<hbm>>) target(%arg9 : memref<128xi32, #tpu.memory_space<vmem>>) target_semaphore(%run_scoped3A : memref<!tpu.dma_semaphore, #tpu.memory_space<semaphore_mem>>)
        %dma_wait3A = tpu.memref_slice %arg3[%add3A_50] : memref<331776xi32, #tpu.memory_space<hbm>> -> memref<128xi32, #tpu.memory_space<hbm>>
        %dma_wait3A_57 = tpu.memref_slice %arg3[%add3A_50] : memref<331776xi32, #tpu.memory_space<hbm>> -> memref<128xi32, #tpu.memory_space<hbm>>
        tpu.wait_dma2 semaphore(%run_scoped3A : memref<!tpu.dma_semaphore, #tpu.memory_space<semaphore_mem>>) src(%dma_wait3A_57 : memref<128xi32, #tpu.memory_space<hbm>>) dst(%arg9 : memref<128xi32, #tpu.memory_space<vmem>>)
        tpu.yield
      }) : () -> ()
      "tpu.region"() ({
        %run_scoped3A = tpu.sem_alloc : memref<!tpu.dma_semaphore, #tpu.memory_space<semaphore_mem>>
        %dma_start3A = tpu.memref_slice %arg4[%add3A_50] : memref<331776xi32, #tpu.memory_space<hbm>> -> memref<128xi32, #tpu.memory_space<hbm>>
        %dma_start3A_56 = tpu.memref_slice %arg4[%add3A_50] : memref<331776xi32, #tpu.memory_space<hbm>> -> memref<128xi32, #tpu.memory_space<hbm>>
        tpu.enqueue_dma source(%dma_start3A_56 : memref<128xi32, #tpu.memory_space<hbm>>) target(%arg10 : memref<128xi32, #tpu.memory_space<vmem>>) target_semaphore(%run_scoped3A : memref<!tpu.dma_semaphore, #tpu.memory_space<semaphore_mem>>)
        %dma_wait3A = tpu.memref_slice %arg4[%add3A_50] : memref<331776xi32, #tpu.memory_space<hbm>> -> memref<128xi32, #tpu.memory_space<hbm>>
        %dma_wait3A_57 = tpu.memref_slice %arg4[%add3A_50] : memref<331776xi32, #tpu.memory_space<hbm>> -> memref<128xi32, #tpu.memory_space<hbm>>
        tpu.wait_dma2 semaphore(%run_scoped3A : memref<!tpu.dma_semaphore, #tpu.memory_space<semaphore_mem>>) src(%dma_wait3A_57 : memref<128xi32, #tpu.memory_space<hbm>>) dst(%arg10 : memref<128xi32, #tpu.memory_space<vmem>>)
        tpu.yield
      }) : () -> ()
      "tpu.region"() ({
        %run_scoped3A = tpu.sem_alloc : memref<!tpu.dma_semaphore, #tpu.memory_space<semaphore_mem>>
        %dma_start3A = arith.constant 0 : i32
        %dma_start3A_56 = arith.constant 0 : i32
        %dma_start3A_57 = tpu.memref_slice %arg8[%dma_start3A, %dma_start3A_56] : memref<10240x16xf32, #tpu.memory_space<vmem_shared>> -> memref<10240x16xf32, #tpu.memory_space<vmem_shared>>
        tpu.enqueue_indirect_dma source(%dma_start3A_57 : memref<10240x16xf32, #tpu.memory_space<vmem_shared>>) target(%arg11 : memref<128x16xf32, #tpu.memory_space<vmem>>) offsets(%arg9 : memref<128xi32, #tpu.memory_space<vmem>>) semaphore(%run_scoped3A : memref<!tpu.dma_semaphore, #tpu.memory_space<semaphore_mem>>)
        %dma_wait3A = arith.constant 0 : i32
        %dma_wait3A_58 = arith.constant 0 : i32
        %dma_wait3A_59 = tpu.memref_slice %arg8[%dma_wait3A, %dma_wait3A_58] : memref<10240x16xf32, #tpu.memory_space<vmem_shared>> -> memref<10240x16xf32, #tpu.memory_space<vmem_shared>>
        tpu.wait_indirect_dma semaphore(%run_scoped3A : memref<!tpu.dma_semaphore, #tpu.memory_space<semaphore_mem>>) src(%dma_wait3A_59 : memref<10240x16xf32, #tpu.memory_space<vmem_shared>>) dst(%arg11 : memref<128x16xf32, #tpu.memory_space<vmem>>)
        tpu.yield
      }) : () -> ()
      "tpu.region"() ({
        %run_scoped3A = tpu.sem_alloc : memref<!tpu.dma_semaphore, #tpu.memory_space<semaphore_mem>>
        %dma_start3A = arith.constant 0 : i32
        %dma_start3A_56 = arith.constant 0 : i32
        %dma_start3A_57 = tpu.memref_slice %arg8[%dma_start3A, %dma_start3A_56] : memref<10240x16xf32, #tpu.memory_space<vmem_shared>> -> memref<10240x16xf32, #tpu.memory_space<vmem_shared>>
        tpu.enqueue_indirect_dma source(%dma_start3A_57 : memref<10240x16xf32, #tpu.memory_space<vmem_shared>>) target(%arg12 : memref<128x16xf32, #tpu.memory_space<vmem>>) offsets(%arg10 : memref<128xi32, #tpu.memory_space<vmem>>) semaphore(%run_scoped3A : memref<!tpu.dma_semaphore, #tpu.memory_space<semaphore_mem>>)
        %dma_wait3A = arith.constant 0 : i32
        %dma_wait3A_58 = arith.constant 0 : i32
        %dma_wait3A_59 = tpu.memref_slice %arg8[%dma_wait3A, %dma_wait3A_58] : memref<10240x16xf32, #tpu.memory_space<vmem_shared>> -> memref<10240x16xf32, #tpu.memory_space<vmem_shared>>
        tpu.wait_indirect_dma semaphore(%run_scoped3A : memref<!tpu.dma_semaphore, #tpu.memory_space<semaphore_mem>>) src(%dma_wait3A_59 : memref<10240x16xf32, #tpu.memory_space<vmem_shared>>) dst(%arg12 : memref<128x16xf32, #tpu.memory_space<vmem>>)
        tpu.yield
      }) : () -> ()
      %scan3A_51 = arith.constant 0 : i32
      %scan3A_52 = arith.constant 128 : i32
      %scan3A_53 = arith.addi %scan3A_51, %scan3A_52 : i32
      %scan3A_54 = arith.constant 1 : i32
      scf.for %scan3A_56 = %scan3A_51 to %scan3A_53 step %scan3A_54  : i32 {
        %mul3A_57 = arith.constant 1 : i32
        %mul3A_58 = arith.muli %scan3A_56, %mul3A_57 : i32
        %add3A_59 = arith.constant 0 : i32
        %add3A_60 = arith.addi %add3A_59, %mul3A_58 : i32
        %get3A_61 = arith.index_cast %add3A_60 : i32 to index
        %get3A_62 = arith.constant 0 : index
        %get3A_63 = tpu.vector_load %arg11[%get3A_61, %get3A_62] {strides = array<i32>} : memref<128x16xf32, #tpu.memory_space<vmem>>, vector<1x16xf32>,
        %get3A_64 = vector.shape_cast %get3A_63 : vector<1x16xf32> to vector<16xf32>
        %get3A_65 = arith.index_cast %add3A_60 : i32 to index
        %get3A_66 = arith.constant 0 : index
        %get3A_67 = tpu.vector_load %arg12[%get3A_65, %get3A_66] {strides = array<i32>} : memref<128x16xf32, #tpu.memory_space<vmem>>, vector<1x16xf32>,
        %get3A_68 = vector.shape_cast %get3A_67 : vector<1x16xf32> to vector<16xf32>
        %broadcast_in_dim3A_69 = vector.shape_cast %broadcast_in_dim3A_23 : vector<16xi32> to vector<16x1xi32>
        %gather3A = vector.shape_cast %broadcast_in_dim3A_69 : vector<16x1xi32> to vector<16xi32>
        %gather3A_70 = tpu.dynamic_gather %get3A_68[%gather3A] in [0] : vector<16xf32>, vector<16xi32> -> vector<16xf32>
        %add3A_71 = arith.addf %get3A_64, %gather3A_70 : vector<16xf32>
        %mul3A_72 = arith.constant 2.000000e-01 : f32
        %mul3A_73 = vector.broadcast %mul3A_72 : f32 to vector<16xf32>
        %mul3A_74 = arith.mulf %mul3A_73, %add3A_71 : vector<16xf32>
        %max3A = arith.maximumf %add3A_71, %mul3A_74 : vector<16xf32>
        %sub3A = arith.subf %max3A, %get3A_21 : vector<16xf32>
        %exp3A = math.exp %sub3A : vector<16xf32>
        %broadcast_in_dim3A_75 = vector.shape_cast %broadcast_in_dim3A_25 : vector<16xi32> to vector<16x1xi32>
        %gather3A_76 = vector.shape_cast %broadcast_in_dim3A_75 : vector<16x1xi32> to vector<16xi32>
        %gather3A_77 = tpu.dynamic_gather %exp3A[%gather3A_76] in [0] : vector<16xf32>, vector<16xi32> -> vector<16xf32>
        %broadcast_in_dim3A_78 = vector.shape_cast %broadcast_in_dim3A_27 : vector<16xi32> to vector<16x1xi32>
        %gather3A_79 = vector.shape_cast %broadcast_in_dim3A_78 : vector<16x1xi32> to vector<16xi32>
        %gather3A_80 = tpu.dynamic_gather %get3A_64[%gather3A_79] in [0] : vector<16xf32>, vector<16xi32> -> vector<16xf32>
        %eq3A_81 = arith.constant 1 : i32
        %eq3A_82 = vector.broadcast %eq3A_81 : i32 to vector<16xi32>
        %eq3A_83 = arith.cmpi eq, %iota3A, %eq3A_82 : vector<16xi32>
        %select_n3A_84 = arith.select %eq3A_83, %gather3A_80, %select_n3A : vector<16xi1>, vector<16xf32>
        %mul3A_85 = arith.mulf %gather3A_77, %select_n3A_84 : vector<16xf32>
        %swap3A = arith.index_cast %add3A_60 : i32 to index
        %swap3A_86 = arith.constant 0 : index
        %swap3A_87 = tpu.vector_load %arg13[%swap3A, %swap3A_86] {strides = array<i32>} : memref<128x16xf32, #tpu.memory_space<vmem>>, vector<1x16xf32>,
        %swap3A_88 = vector.shape_cast %swap3A_87 : vector<1x16xf32> to vector<16xf32>
        %swap3A_89 = vector.shape_cast %mul3A_85 : vector<16xf32> to vector<1x16xf32>
        tpu.vector_store %arg13[%swap3A, %swap3A_86], %swap3A_89 {strides = array<i32>} : memref<128x16xf32, #tpu.memory_space<vmem>>, vector<1x16xf32>,
      }
      %scan3A_55 = arith.constant 128 : i32
      "tpu.region"() ({
        %run_scoped3A = tpu.sem_alloc : memref<!tpu.dma_semaphore, #tpu.memory_space<semaphore_mem>>
        %dma_start3A = arith.constant 0 : i32
        %dma_start3A_56 = arith.constant 0 : i32
        %dma_start3A_57 = tpu.memref_slice %arg7[%dma_start3A, %dma_start3A_56] : memref<10240x16xf32, #tpu.memory_space<vmem_shared>> -> memref<10240x16xf32, #tpu.memory_space<vmem_shared>>
        tpu.enqueue_indirect_dma source(%arg13 : memref<128x16xf32, #tpu.memory_space<vmem>>) target(%dma_start3A_57 : memref<10240x16xf32, #tpu.memory_space<vmem_shared>>) offsets(%arg10 : memref<128xi32, #tpu.memory_space<vmem>>) semaphore(%run_scoped3A : memref<!tpu.dma_semaphore, #tpu.memory_space<semaphore_mem>>) {add = true}
        %dma_wait3A = arith.constant 0 : i32
        %dma_wait3A_58 = arith.constant 0 : i32
        %dma_wait3A_59 = tpu.memref_slice %arg7[%dma_wait3A, %dma_wait3A_58] : memref<10240x16xf32, #tpu.memory_space<vmem_shared>> -> memref<10240x16xf32, #tpu.memory_space<vmem_shared>>
        tpu.wait_indirect_dma semaphore(%run_scoped3A : memref<!tpu.dma_semaphore, #tpu.memory_space<semaphore_mem>>) src(%arg13 : memref<128x16xf32, #tpu.memory_space<vmem>>) dst(%dma_wait3A_59 : memref<10240x16xf32, #tpu.memory_space<vmem_shared>>)
        tpu.yield
      }) : () -> ()
    }
    %scan3A_41 = arith.constant 81 : i32
    %barrier3A_42 = arith.constant 0 : index
    tpu.barrier barrier_id(%barrier3A_42)
    "tpu.region"() ({
      %run_scoped3A = tpu.sem_alloc : memref<!tpu.dma_semaphore, #tpu.memory_space<semaphore_mem>>
      %dma_start3A = arith.constant 0 : i32
      %dma_start3A_43 = tpu.memref_slice %arg6[%arg0, %mul3A_7, %dma_start3A] : memref<2x10240x16xf32, #tpu.memory_space<hbm>> -> memref<1x640x16xf32, #tpu.memory_space<hbm>>
      %dma_start3A_44 = tpu.memref_squeeze %dma_start3A_43 : memref<1x640x16xf32, #tpu.memory_space<hbm>> -> memref<640x16xf32, #tpu.memory_space<hbm>>
      %dma_start3A_45 = arith.constant 0 : i32
      %dma_start3A_46 = tpu.memref_slice %arg7[%mul3A_7, %dma_start3A_45] : memref<10240x16xf32, #tpu.memory_space<vmem_shared>> -> memref<640x16xf32, #tpu.memory_space<vmem_shared>>
      tpu.enqueue_dma source(%dma_start3A_46 : memref<640x16xf32, #tpu.memory_space<vmem_shared>>) target(%dma_start3A_44 : memref<640x16xf32, #tpu.memory_space<hbm>>) target_semaphore(%run_scoped3A : memref<!tpu.dma_semaphore, #tpu.memory_space<semaphore_mem>>)
      %dma_wait3A = arith.constant 0 : i32
      %dma_wait3A_47 = tpu.memref_slice %arg6[%arg0, %mul3A_7, %dma_wait3A] : memref<2x10240x16xf32, #tpu.memory_space<hbm>> -> memref<1x640x16xf32, #tpu.memory_space<hbm>>
      %dma_wait3A_48 = tpu.memref_squeeze %dma_wait3A_47 : memref<1x640x16xf32, #tpu.memory_space<hbm>> -> memref<640x16xf32, #tpu.memory_space<hbm>>
      %dma_wait3A_49 = arith.constant 0 : i32
      %dma_wait3A_50 = tpu.memref_slice %arg7[%mul3A_7, %dma_wait3A_49] : memref<10240x16xf32, #tpu.memory_space<vmem_shared>> -> memref<640x16xf32, #tpu.memory_space<vmem_shared>>
      tpu.wait_dma2 semaphore(%run_scoped3A : memref<!tpu.dma_semaphore, #tpu.memory_space<semaphore_mem>>) src(%dma_wait3A_50 : memref<640x16xf32, #tpu.memory_space<vmem_shared>>) dst(%dma_wait3A_48 : memref<640x16xf32, #tpu.memory_space<hbm>>)
      tpu.yield
    }) : () -> ()
    return
  }
}

#map = affine_map<(d0, d1) -> (0, 0)>
#map1 = affine_map<(d0, d1) -> (0)>
#map2 = affine_map<(d0, d1) -> (0, 0, 0)>
module attributes {stable_mosaic.version = 14 : i64} {
  func.func @_sc1_kernel(%arg0: i32, %arg1: i32, %arg2: memref<10240x16xf32, #tpu.memory_space<hbm>>, %arg3: memref<10240x128xf32, #tpu.memory_space<hbm>>, %arg4: memref<331776xi32, #tpu.memory_space<hbm>>, %arg5: memref<331776xi32, #tpu.memory_space<hbm>>, %arg6: memref<1x16xf32, #tpu.memory_space<hbm>>, %arg7: memref<2x10240x128xf32, #tpu.memory_space<hbm>>, %arg8: memref<2x10240x16xf32, #tpu.memory_space<hbm>>, %arg9: memref<10240x128xf32, #tpu.memory_space<vmem_shared>>, %arg10: memref<10240x16xf32, #tpu.memory_space<vmem_shared>>, %arg11: memref<128xi32, #tpu.memory_space<vmem>>, %arg12: memref<128xi32, #tpu.memory_space<vmem>>, %arg13: memref<128x16xf32, #tpu.memory_space<vmem>>, %arg14: memref<128x16xf32, #tpu.memory_space<vmem>>, %arg15: memref<128x16xf32, #tpu.memory_space<vmem>>, %arg16: memref<128x128xf32, #tpu.memory_space<vmem>>, %arg17: memref<1x16xf32, #tpu.memory_space<vmem>>) attributes {dimension_semantics = [#tpu.dimension_semantics<core_parallel>, #tpu.dimension_semantics<subcore_parallel>], iteration_bounds = array<i64: 2, 16>, scalar_prefetch = 0 : i64, scratch_operands = 9 : i64, tpu.core_type = #tpu.core_type<sc_vector_subcore>, window_params = [{transform_indices = #map}, {transform_indices = #map}, {transform_indices = #map1}, {transform_indices = #map1}, {transform_indices = #map}, {transform_indices = #map2}, {transform_indices = #map2}]} {
    %mul3A = arith.constant 16 : i32
    %mul3A_0 = arith.muli %arg0, %mul3A : i32
    %add3A = arith.addi %mul3A_0, %arg1 : i32
    %broadcast_in_dim3A = arith.constant 0.000000e+00 : f32
    %broadcast_in_dim3A_1 = vector.broadcast %broadcast_in_dim3A : f32 to vector<16xf32>
    %scan3A = arith.constant 0 : i32
    %scan3A_2 = arith.constant 128 : i32
    %scan3A_3 = arith.addi %scan3A, %scan3A_2 : i32
    %scan3A_4 = arith.constant 1 : i32
    scf.for %scan3A_54 = %scan3A to %scan3A_3 step %scan3A_4  : i32 {
      %mul3A_55 = arith.constant 1 : i32
      %mul3A_56 = arith.muli %scan3A_54, %mul3A_55 : i32
      %add3A_57 = arith.constant 0 : i32
      %add3A_58 = arith.addi %add3A_57, %mul3A_56 : i32
      %swap3A = arith.index_cast %add3A_58 : i32 to index
      %swap3A_59 = arith.constant 0 : index
      %swap3A_60 = tpu.vector_load %arg16[%swap3A, %swap3A_59] {strides = array<i32>} : memref<128x128xf32, #tpu.memory_space<vmem>>, vector<1x16xf32>,
      %swap3A_61 = vector.shape_cast %swap3A_60 : vector<1x16xf32> to vector<16xf32>
      %swap3A_62 = vector.shape_cast %broadcast_in_dim3A_1 : vector<16xf32> to vector<1x16xf32>
      tpu.vector_store %arg16[%swap3A, %swap3A_59], %swap3A_62 {strides = array<i32>} : memref<128x128xf32, #tpu.memory_space<vmem>>, vector<1x16xf32>,
      %swap3A_63 = arith.index_cast %add3A_58 : i32 to index
      %swap3A_64 = arith.constant 16 : index
      %swap3A_65 = tpu.vector_load %arg16[%swap3A_63, %swap3A_64] {strides = array<i32>} : memref<128x128xf32, #tpu.memory_space<vmem>>, vector<1x16xf32>,
      %swap3A_66 = vector.shape_cast %swap3A_65 : vector<1x16xf32> to vector<16xf32>
      %swap3A_67 = vector.shape_cast %broadcast_in_dim3A_1 : vector<16xf32> to vector<1x16xf32>
      tpu.vector_store %arg16[%swap3A_63, %swap3A_64], %swap3A_67 {strides = array<i32>} : memref<128x128xf32, #tpu.memory_space<vmem>>, vector<1x16xf32>,
      %swap3A_68 = arith.index_cast %add3A_58 : i32 to index
      %swap3A_69 = arith.constant 32 : index
      %swap3A_70 = tpu.vector_load %arg16[%swap3A_68, %swap3A_69] {strides = array<i32>} : memref<128x128xf32, #tpu.memory_space<vmem>>, vector<1x16xf32>,
      %swap3A_71 = vector.shape_cast %swap3A_70 : vector<1x16xf32> to vector<16xf32>
      %swap3A_72 = vector.shape_cast %broadcast_in_dim3A_1 : vector<16xf32> to vector<1x16xf32>
      tpu.vector_store %arg16[%swap3A_68, %swap3A_69], %swap3A_72 {strides = array<i32>} : memref<128x128xf32, #tpu.memory_space<vmem>>, vector<1x16xf32>,
      %swap3A_73 = arith.index_cast %add3A_58 : i32 to index
      %swap3A_74 = arith.constant 48 : index
      %swap3A_75 = tpu.vector_load %arg16[%swap3A_73, %swap3A_74] {strides = array<i32>} : memref<128x128xf32, #tpu.memory_space<vmem>>, vector<1x16xf32>,
      %swap3A_76 = vector.shape_cast %swap3A_75 : vector<1x16xf32> to vector<16xf32>
      %swap3A_77 = vector.shape_cast %broadcast_in_dim3A_1 : vector<16xf32> to vector<1x16xf32>
      tpu.vector_store %arg16[%swap3A_73, %swap3A_74], %swap3A_77 {strides = array<i32>} : memref<128x128xf32, #tpu.memory_space<vmem>>, vector<1x16xf32>,
      %swap3A_78 = arith.index_cast %add3A_58 : i32 to index
      %swap3A_79 = arith.constant 64 : index
      %swap3A_80 = tpu.vector_load %arg16[%swap3A_78, %swap3A_79] {strides = array<i32>} : memref<128x128xf32, #tpu.memory_space<vmem>>, vector<1x16xf32>,
      %swap3A_81 = vector.shape_cast %swap3A_80 : vector<1x16xf32> to vector<16xf32>
      %swap3A_82 = vector.shape_cast %broadcast_in_dim3A_1 : vector<16xf32> to vector<1x16xf32>
      tpu.vector_store %arg16[%swap3A_78, %swap3A_79], %swap3A_82 {strides = array<i32>} : memref<128x128xf32, #tpu.memory_space<vmem>>, vector<1x16xf32>,
      %swap3A_83 = arith.index_cast %add3A_58 : i32 to index
      %swap3A_84 = arith.constant 80 : index
      %swap3A_85 = tpu.vector_load %arg16[%swap3A_83, %swap3A_84] {strides = array<i32>} : memref<128x128xf32, #tpu.memory_space<vmem>>, vector<1x16xf32>,
      %swap3A_86 = vector.shape_cast %swap3A_85 : vector<1x16xf32> to vector<16xf32>
      %swap3A_87 = vector.shape_cast %broadcast_in_dim3A_1 : vector<16xf32> to vector<1x16xf32>
      tpu.vector_store %arg16[%swap3A_83, %swap3A_84], %swap3A_87 {strides = array<i32>} : memref<128x128xf32, #tpu.memory_space<vmem>>, vector<1x16xf32>,
      %swap3A_88 = arith.index_cast %add3A_58 : i32 to index
      %swap3A_89 = arith.constant 96 : index
      %swap3A_90 = tpu.vector_load %arg16[%swap3A_88, %swap3A_89] {strides = array<i32>} : memref<128x128xf32, #tpu.memory_space<vmem>>, vector<1x16xf32>,
      %swap3A_91 = vector.shape_cast %swap3A_90 : vector<1x16xf32> to vector<16xf32>
      %swap3A_92 = vector.shape_cast %broadcast_in_dim3A_1 : vector<16xf32> to vector<1x16xf32>
      tpu.vector_store %arg16[%swap3A_88, %swap3A_89], %swap3A_92 {strides = array<i32>} : memref<128x128xf32, #tpu.memory_space<vmem>>, vector<1x16xf32>,
      %swap3A_93 = arith.index_cast %add3A_58 : i32 to index
      %swap3A_94 = arith.constant 112 : index
      %swap3A_95 = tpu.vector_load %arg16[%swap3A_93, %swap3A_94] {strides = array<i32>} : memref<128x128xf32, #tpu.memory_space<vmem>>, vector<1x16xf32>,
      %swap3A_96 = vector.shape_cast %swap3A_95 : vector<1x16xf32> to vector<16xf32>
      %swap3A_97 = vector.shape_cast %broadcast_in_dim3A_1 : vector<16xf32> to vector<1x16xf32>
      tpu.vector_store %arg16[%swap3A_93, %swap3A_94], %swap3A_97 {strides = array<i32>} : memref<128x128xf32, #tpu.memory_space<vmem>>, vector<1x16xf32>,
    }
    %scan3A_5 = arith.constant 128 : i32
    %broadcast_in_dim3A_6 = arith.constant 0.000000e+00 : f32
    %broadcast_in_dim3A_7 = vector.broadcast %broadcast_in_dim3A_6 : f32 to vector<16xf32>
    %scan3A_8 = arith.constant 0 : i32
    %scan3A_9 = arith.constant 128 : i32
    %scan3A_10 = arith.addi %scan3A_8, %scan3A_9 : i32
    %scan3A_11 = arith.constant 1 : i32
    scf.for %scan3A_54 = %scan3A_8 to %scan3A_10 step %scan3A_11  : i32 {
      %mul3A_55 = arith.constant 1 : i32
      %mul3A_56 = arith.muli %scan3A_54, %mul3A_55 : i32
      %add3A_57 = arith.constant 0 : i32
      %add3A_58 = arith.addi %add3A_57, %mul3A_56 : i32
      %swap3A = arith.index_cast %add3A_58 : i32 to index
      %swap3A_59 = arith.constant 0 : index
      %swap3A_60 = tpu.vector_load %arg15[%swap3A, %swap3A_59] {strides = array<i32>} : memref<128x16xf32, #tpu.memory_space<vmem>>, vector<1x16xf32>,
      %swap3A_61 = vector.shape_cast %swap3A_60 : vector<1x16xf32> to vector<16xf32>
      %swap3A_62 = vector.shape_cast %broadcast_in_dim3A_7 : vector<16xf32> to vector<1x16xf32>
      tpu.vector_store %arg15[%swap3A, %swap3A_59], %swap3A_62 {strides = array<i32>} : memref<128x16xf32, #tpu.memory_space<vmem>>, vector<1x16xf32>,
    }
    %scan3A_12 = arith.constant 128 : i32
    %mul3A_13 = arith.constant 640 : i32
    %mul3A_14 = arith.muli %arg1, %mul3A_13 : i32
    %add3A_15 = arith.constant 0 : i32
    %add3A_16 = arith.addi %mul3A_14, %add3A_15 : i32
    "tpu.region"() ({
      %run_scoped3A = tpu.sem_alloc : memref<!tpu.dma_semaphore, #tpu.memory_space<semaphore_mem>>
      %dma_start3A = arith.constant 0 : i32
      %dma_start3A_54 = tpu.memref_slice %arg9[%add3A_16, %dma_start3A] : memref<10240x128xf32, #tpu.memory_space<vmem_shared>> -> memref<128x128xf32, #tpu.memory_space<vmem_shared>>
      %dma_start3A_55 = arith.constant 0 : i32
      %dma_start3A_56 = tpu.memref_slice %arg9[%add3A_16, %dma_start3A_55] : memref<10240x128xf32, #tpu.memory_space<vmem_shared>> -> memref<128x128xf32, #tpu.memory_space<vmem_shared>>
      tpu.enqueue_dma source(%arg16 : memref<128x128xf32, #tpu.memory_space<vmem>>) target(%dma_start3A_56 : memref<128x128xf32, #tpu.memory_space<vmem_shared>>) target_semaphore(%run_scoped3A : memref<!tpu.dma_semaphore, #tpu.memory_space<semaphore_mem>>)
      %dma_wait3A = arith.constant 0 : i32
      %dma_wait3A_57 = tpu.memref_slice %arg9[%add3A_16, %dma_wait3A] : memref<10240x128xf32, #tpu.memory_space<vmem_shared>> -> memref<128x128xf32, #tpu.memory_space<vmem_shared>>
      %dma_wait3A_58 = arith.constant 0 : i32
      %dma_wait3A_59 = tpu.memref_slice %arg9[%add3A_16, %dma_wait3A_58] : memref<10240x128xf32, #tpu.memory_space<vmem_shared>> -> memref<128x128xf32, #tpu.memory_space<vmem_shared>>
      tpu.wait_dma2 semaphore(%run_scoped3A : memref<!tpu.dma_semaphore, #tpu.memory_space<semaphore_mem>>) src(%arg16 : memref<128x128xf32, #tpu.memory_space<vmem>>) dst(%dma_wait3A_59 : memref<128x128xf32, #tpu.memory_space<vmem_shared>>)
      tpu.yield
    }) : () -> ()
    %add3A_17 = arith.constant 0 : i32
    %add3A_18 = arith.addi %mul3A_14, %add3A_17 : i32
    "tpu.region"() ({
      %run_scoped3A = tpu.sem_alloc : memref<!tpu.dma_semaphore, #tpu.memory_space<semaphore_mem>>
      %dma_start3A = arith.constant 0 : i32
      %dma_start3A_54 = tpu.memref_slice %arg10[%add3A_18, %dma_start3A] : memref<10240x16xf32, #tpu.memory_space<vmem_shared>> -> memref<128x16xf32, #tpu.memory_space<vmem_shared>>
      %dma_start3A_55 = arith.constant 0 : i32
      %dma_start3A_56 = tpu.memref_slice %arg10[%add3A_18, %dma_start3A_55] : memref<10240x16xf32, #tpu.memory_space<vmem_shared>> -> memref<128x16xf32, #tpu.memory_space<vmem_shared>>
      tpu.enqueue_dma source(%arg15 : memref<128x16xf32, #tpu.memory_space<vmem>>) target(%dma_start3A_56 : memref<128x16xf32, #tpu.memory_space<vmem_shared>>) target_semaphore(%run_scoped3A : memref<!tpu.dma_semaphore, #tpu.memory_space<semaphore_mem>>)
      %dma_wait3A = arith.constant 0 : i32
      %dma_wait3A_57 = tpu.memref_slice %arg10[%add3A_18, %dma_wait3A] : memref<10240x16xf32, #tpu.memory_space<vmem_shared>> -> memref<128x16xf32, #tpu.memory_space<vmem_shared>>
      %dma_wait3A_58 = arith.constant 0 : i32
      %dma_wait3A_59 = tpu.memref_slice %arg10[%add3A_18, %dma_wait3A_58] : memref<10240x16xf32, #tpu.memory_space<vmem_shared>> -> memref<128x16xf32, #tpu.memory_space<vmem_shared>>
      tpu.wait_dma2 semaphore(%run_scoped3A : memref<!tpu.dma_semaphore, #tpu.memory_space<semaphore_mem>>) src(%arg15 : memref<128x16xf32, #tpu.memory_space<vmem>>) dst(%dma_wait3A_59 : memref<128x16xf32, #tpu.memory_space<vmem_shared>>)
      tpu.yield
    }) : () -> ()
    %add3A_19 = arith.constant 128 : i32
    %add3A_20 = arith.addi %mul3A_14, %add3A_19 : i32
    "tpu.region"() ({
      %run_scoped3A = tpu.sem_alloc : memref<!tpu.dma_semaphore, #tpu.memory_space<semaphore_mem>>
      %dma_start3A = arith.constant 0 : i32
      %dma_start3A_54 = tpu.memref_slice %arg9[%add3A_20, %dma_start3A] : memref<10240x128xf32, #tpu.memory_space<vmem_shared>> -> memref<128x128xf32, #tpu.memory_space<vmem_shared>>
      %dma_start3A_55 = arith.constant 0 : i32
      %dma_start3A_56 = tpu.memref_slice %arg9[%add3A_20, %dma_start3A_55] : memref<10240x128xf32, #tpu.memory_space<vmem_shared>> -> memref<128x128xf32, #tpu.memory_space<vmem_shared>>
      tpu.enqueue_dma source(%arg16 : memref<128x128xf32, #tpu.memory_space<vmem>>) target(%dma_start3A_56 : memref<128x128xf32, #tpu.memory_space<vmem_shared>>) target_semaphore(%run_scoped3A : memref<!tpu.dma_semaphore, #tpu.memory_space<semaphore_mem>>)
      %dma_wait3A = arith.constant 0 : i32
      %dma_wait3A_57 = tpu.memref_slice %arg9[%add3A_20, %dma_wait3A] : memref<10240x128xf32, #tpu.memory_space<vmem_shared>> -> memref<128x128xf32, #tpu.memory_space<vmem_shared>>
      %dma_wait3A_58 = arith.constant 0 : i32
      %dma_wait3A_59 = tpu.memref_slice %arg9[%add3A_20, %dma_wait3A_58] : memref<10240x128xf32, #tpu.memory_space<vmem_shared>> -> memref<128x128xf32, #tpu.memory_space<vmem_shared>>
      tpu.wait_dma2 semaphore(%run_scoped3A : memref<!tpu.dma_semaphore, #tpu.memory_space<semaphore_mem>>) src(%arg16 : memref<128x128xf32, #tpu.memory_space<vmem>>) dst(%dma_wait3A_59 : memref<128x128xf32, #tpu.memory_space<vmem_shared>>)
      tpu.yield
    }) : () -> ()
    %add3A_21 = arith.constant 128 : i32
    %add3A_22 = arith.addi %mul3A_14, %add3A_21 : i32
    "tpu.region"() ({
      %run_scoped3A = tpu.sem_alloc : memref<!tpu.dma_semaphore, #tpu.memory_space<semaphore_mem>>
      %dma_start3A = arith.constant 0 : i32
      %dma_start3A_54 = tpu.memref_slice %arg10[%add3A_22, %dma_start3A] : memref<10240x16xf32, #tpu.memory_space<vmem_shared>> -> memref<128x16xf32, #tpu.memory_space<vmem_shared>>
      %dma_start3A_55 = arith.constant 0 : i32
      %dma_start3A_56 = tpu.memref_slice %arg10[%add3A_22, %dma_start3A_55] : memref<10240x16xf32, #tpu.memory_space<vmem_shared>> -> memref<128x16xf32, #tpu.memory_space<vmem_shared>>
      tpu.enqueue_dma source(%arg15 : memref<128x16xf32, #tpu.memory_space<vmem>>) target(%dma_start3A_56 : memref<128x16xf32, #tpu.memory_space<vmem_shared>>) target_semaphore(%run_scoped3A : memref<!tpu.dma_semaphore, #tpu.memory_space<semaphore_mem>>)
      %dma_wait3A = arith.constant 0 : i32
      %dma_wait3A_57 = tpu.memref_slice %arg10[%add3A_22, %dma_wait3A] : memref<10240x16xf32, #tpu.memory_space<vmem_shared>> -> memref<128x16xf32, #tpu.memory_space<vmem_shared>>
      %dma_wait3A_58 = arith.constant 0 : i32
      %dma_wait3A_59 = tpu.memref_slice %arg10[%add3A_22, %dma_wait3A_58] : memref<10240x16xf32, #tpu.memory_space<vmem_shared>> -> memref<128x16xf32, #tpu.memory_space<vmem_shared>>
      tpu.wait_dma2 semaphore(%run_scoped3A : memref<!tpu.dma_semaphore, #tpu.memory_space<semaphore_mem>>) src(%arg15 : memref<128x16xf32, #tpu.memory_space<vmem>>) dst(%dma_wait3A_59 : memref<128x16xf32, #tpu.memory_space<vmem_shared>>)
      tpu.yield
    }) : () -> ()
    %add3A_23 = arith.constant 256 : i32
    %add3A_24 = arith.addi %mul3A_14, %add3A_23 : i32
    "tpu.region"() ({
      %run_scoped3A = tpu.sem_alloc : memref<!tpu.dma_semaphore, #tpu.memory_space<semaphore_mem>>
      %dma_start3A = arith.constant 0 : i32
      %dma_start3A_54 = tpu.memref_slice %arg9[%add3A_24, %dma_start3A] : memref<10240x128xf32, #tpu.memory_space<vmem_shared>> -> memref<128x128xf32, #tpu.memory_space<vmem_shared>>
      %dma_start3A_55 = arith.constant 0 : i32
      %dma_start3A_56 = tpu.memref_slice %arg9[%add3A_24, %dma_start3A_55] : memref<10240x128xf32, #tpu.memory_space<vmem_shared>> -> memref<128x128xf32, #tpu.memory_space<vmem_shared>>
      tpu.enqueue_dma source(%arg16 : memref<128x128xf32, #tpu.memory_space<vmem>>) target(%dma_start3A_56 : memref<128x128xf32, #tpu.memory_space<vmem_shared>>) target_semaphore(%run_scoped3A : memref<!tpu.dma_semaphore, #tpu.memory_space<semaphore_mem>>)
      %dma_wait3A = arith.constant 0 : i32
      %dma_wait3A_57 = tpu.memref_slice %arg9[%add3A_24, %dma_wait3A] : memref<10240x128xf32, #tpu.memory_space<vmem_shared>> -> memref<128x128xf32, #tpu.memory_space<vmem_shared>>
      %dma_wait3A_58 = arith.constant 0 : i32
      %dma_wait3A_59 = tpu.memref_slice %arg9[%add3A_24, %dma_wait3A_58] : memref<10240x128xf32, #tpu.memory_space<vmem_shared>> -> memref<128x128xf32, #tpu.memory_space<vmem_shared>>
      tpu.wait_dma2 semaphore(%run_scoped3A : memref<!tpu.dma_semaphore, #tpu.memory_space<semaphore_mem>>) src(%arg16 : memref<128x128xf32, #tpu.memory_space<vmem>>) dst(%dma_wait3A_59 : memref<128x128xf32, #tpu.memory_space<vmem_shared>>)
      tpu.yield
    }) : () -> ()
    %add3A_25 = arith.constant 256 : i32
    %add3A_26 = arith.addi %mul3A_14, %add3A_25 : i32
    "tpu.region"() ({
      %run_scoped3A = tpu.sem_alloc : memref<!tpu.dma_semaphore, #tpu.memory_space<semaphore_mem>>
      %dma_start3A = arith.constant 0 : i32
      %dma_start3A_54 = tpu.memref_slice %arg10[%add3A_26, %dma_start3A] : memref<10240x16xf32, #tpu.memory_space<vmem_shared>> -> memref<128x16xf32, #tpu.memory_space<vmem_shared>>
      %dma_start3A_55 = arith.constant 0 : i32
      %dma_start3A_56 = tpu.memref_slice %arg10[%add3A_26, %dma_start3A_55] : memref<10240x16xf32, #tpu.memory_space<vmem_shared>> -> memref<128x16xf32, #tpu.memory_space<vmem_shared>>
      tpu.enqueue_dma source(%arg15 : memref<128x16xf32, #tpu.memory_space<vmem>>) target(%dma_start3A_56 : memref<128x16xf32, #tpu.memory_space<vmem_shared>>) target_semaphore(%run_scoped3A : memref<!tpu.dma_semaphore, #tpu.memory_space<semaphore_mem>>)
      %dma_wait3A = arith.constant 0 : i32
      %dma_wait3A_57 = tpu.memref_slice %arg10[%add3A_26, %dma_wait3A] : memref<10240x16xf32, #tpu.memory_space<vmem_shared>> -> memref<128x16xf32, #tpu.memory_space<vmem_shared>>
      %dma_wait3A_58 = arith.constant 0 : i32
      %dma_wait3A_59 = tpu.memref_slice %arg10[%add3A_26, %dma_wait3A_58] : memref<10240x16xf32, #tpu.memory_space<vmem_shared>> -> memref<128x16xf32, #tpu.memory_space<vmem_shared>>
      tpu.wait_dma2 semaphore(%run_scoped3A : memref<!tpu.dma_semaphore, #tpu.memory_space<semaphore_mem>>) src(%arg15 : memref<128x16xf32, #tpu.memory_space<vmem>>) dst(%dma_wait3A_59 : memref<128x16xf32, #tpu.memory_space<vmem_shared>>)
      tpu.yield
    }) : () -> ()
    %add3A_27 = arith.constant 384 : i32
    %add3A_28 = arith.addi %mul3A_14, %add3A_27 : i32
    "tpu.region"() ({
      %run_scoped3A = tpu.sem_alloc : memref<!tpu.dma_semaphore, #tpu.memory_space<semaphore_mem>>
      %dma_start3A = arith.constant 0 : i32
      %dma_start3A_54 = tpu.memref_slice %arg9[%add3A_28, %dma_start3A] : memref<10240x128xf32, #tpu.memory_space<vmem_shared>> -> memref<128x128xf32, #tpu.memory_space<vmem_shared>>
      %dma_start3A_55 = arith.constant 0 : i32
      %dma_start3A_56 = tpu.memref_slice %arg9[%add3A_28, %dma_start3A_55] : memref<10240x128xf32, #tpu.memory_space<vmem_shared>> -> memref<128x128xf32, #tpu.memory_space<vmem_shared>>
      tpu.enqueue_dma source(%arg16 : memref<128x128xf32, #tpu.memory_space<vmem>>) target(%dma_start3A_56 : memref<128x128xf32, #tpu.memory_space<vmem_shared>>) target_semaphore(%run_scoped3A : memref<!tpu.dma_semaphore, #tpu.memory_space<semaphore_mem>>)
      %dma_wait3A = arith.constant 0 : i32
      %dma_wait3A_57 = tpu.memref_slice %arg9[%add3A_28, %dma_wait3A] : memref<10240x128xf32, #tpu.memory_space<vmem_shared>> -> memref<128x128xf32, #tpu.memory_space<vmem_shared>>
      %dma_wait3A_58 = arith.constant 0 : i32
      %dma_wait3A_59 = tpu.memref_slice %arg9[%add3A_28, %dma_wait3A_58] : memref<10240x128xf32, #tpu.memory_space<vmem_shared>> -> memref<128x128xf32, #tpu.memory_space<vmem_shared>>
      tpu.wait_dma2 semaphore(%run_scoped3A : memref<!tpu.dma_semaphore, #tpu.memory_space<semaphore_mem>>) src(%arg16 : memref<128x128xf32, #tpu.memory_space<vmem>>) dst(%dma_wait3A_59 : memref<128x128xf32, #tpu.memory_space<vmem_shared>>)
      tpu.yield
    }) : () -> ()
    %add3A_29 = arith.constant 384 : i32
    %add3A_30 = arith.addi %mul3A_14, %add3A_29 : i32
    "tpu.region"() ({
      %run_scoped3A = tpu.sem_alloc : memref<!tpu.dma_semaphore, #tpu.memory_space<semaphore_mem>>
      %dma_start3A = arith.constant 0 : i32
      %dma_start3A_54 = tpu.memref_slice %arg10[%add3A_30, %dma_start3A] : memref<10240x16xf32, #tpu.memory_space<vmem_shared>> -> memref<128x16xf32, #tpu.memory_space<vmem_shared>>
      %dma_start3A_55 = arith.constant 0 : i32
      %dma_start3A_56 = tpu.memref_slice %arg10[%add3A_30, %dma_start3A_55] : memref<10240x16xf32, #tpu.memory_space<vmem_shared>> -> memref<128x16xf32, #tpu.memory_space<vmem_shared>>
      tpu.enqueue_dma source(%arg15 : memref<128x16xf32, #tpu.memory_space<vmem>>) target(%dma_start3A_56 : memref<128x16xf32, #tpu.memory_space<vmem_shared>>) target_semaphore(%run_scoped3A : memref<!tpu.dma_semaphore, #tpu.memory_space<semaphore_mem>>)
      %dma_wait3A = arith.constant 0 : i32
      %dma_wait3A_57 = tpu.memref_slice %arg10[%add3A_30, %dma_wait3A] : memref<10240x16xf32, #tpu.memory_space<vmem_shared>> -> memref<128x16xf32, #tpu.memory_space<vmem_shared>>
      %dma_wait3A_58 = arith.constant 0 : i32
      %dma_wait3A_59 = tpu.memref_slice %arg10[%add3A_30, %dma_wait3A_58] : memref<10240x16xf32, #tpu.memory_space<vmem_shared>> -> memref<128x16xf32, #tpu.memory_space<vmem_shared>>
      tpu.wait_dma2 semaphore(%run_scoped3A : memref<!tpu.dma_semaphore, #tpu.memory_space<semaphore_mem>>) src(%arg15 : memref<128x16xf32, #tpu.memory_space<vmem>>) dst(%dma_wait3A_59 : memref<128x16xf32, #tpu.memory_space<vmem_shared>>)
      tpu.yield
    }) : () -> ()
    %add3A_31 = arith.constant 512 : i32
    %add3A_32 = arith.addi %mul3A_14, %add3A_31 : i32
    "tpu.region"() ({
      %run_scoped3A = tpu.sem_alloc : memref<!tpu.dma_semaphore, #tpu.memory_space<semaphore_mem>>
      %dma_start3A = arith.constant 0 : i32
      %dma_start3A_54 = tpu.memref_slice %arg9[%add3A_32, %dma_start3A] : memref<10240x128xf32, #tpu.memory_space<vmem_shared>> -> memref<128x128xf32, #tpu.memory_space<vmem_shared>>
      %dma_start3A_55 = arith.constant 0 : i32
      %dma_start3A_56 = tpu.memref_slice %arg9[%add3A_32, %dma_start3A_55] : memref<10240x128xf32, #tpu.memory_space<vmem_shared>> -> memref<128x128xf32, #tpu.memory_space<vmem_shared>>
      tpu.enqueue_dma source(%arg16 : memref<128x128xf32, #tpu.memory_space<vmem>>) target(%dma_start3A_56 : memref<128x128xf32, #tpu.memory_space<vmem_shared>>) target_semaphore(%run_scoped3A : memref<!tpu.dma_semaphore, #tpu.memory_space<semaphore_mem>>)
      %dma_wait3A = arith.constant 0 : i32
      %dma_wait3A_57 = tpu.memref_slice %arg9[%add3A_32, %dma_wait3A] : memref<10240x128xf32, #tpu.memory_space<vmem_shared>> -> memref<128x128xf32, #tpu.memory_space<vmem_shared>>
      %dma_wait3A_58 = arith.constant 0 : i32
      %dma_wait3A_59 = tpu.memref_slice %arg9[%add3A_32, %dma_wait3A_58] : memref<10240x128xf32, #tpu.memory_space<vmem_shared>> -> memref<128x128xf32, #tpu.memory_space<vmem_shared>>
      tpu.wait_dma2 semaphore(%run_scoped3A : memref<!tpu.dma_semaphore, #tpu.memory_space<semaphore_mem>>) src(%arg16 : memref<128x128xf32, #tpu.memory_space<vmem>>) dst(%dma_wait3A_59 : memref<128x128xf32, #tpu.memory_space<vmem_shared>>)
      tpu.yield
    }) : () -> ()
    %add3A_33 = arith.constant 512 : i32
    %add3A_34 = arith.addi %mul3A_14, %add3A_33 : i32
    "tpu.region"() ({
      %run_scoped3A = tpu.sem_alloc : memref<!tpu.dma_semaphore, #tpu.memory_space<semaphore_mem>>
      %dma_start3A = arith.constant 0 : i32
      %dma_start3A_54 = tpu.memref_slice %arg10[%add3A_34, %dma_start3A] : memref<10240x16xf32, #tpu.memory_space<vmem_shared>> -> memref<128x16xf32, #tpu.memory_space<vmem_shared>>
      %dma_start3A_55 = arith.constant 0 : i32
      %dma_start3A_56 = tpu.memref_slice %arg10[%add3A_34, %dma_start3A_55] : memref<10240x16xf32, #tpu.memory_space<vmem_shared>> -> memref<128x16xf32, #tpu.memory_space<vmem_shared>>
      tpu.enqueue_dma source(%arg15 : memref<128x16xf32, #tpu.memory_space<vmem>>) target(%dma_start3A_56 : memref<128x16xf32, #tpu.memory_space<vmem_shared>>) target_semaphore(%run_scoped3A : memref<!tpu.dma_semaphore, #tpu.memory_space<semaphore_mem>>)
      %dma_wait3A = arith.constant 0 : i32
      %dma_wait3A_57 = tpu.memref_slice %arg10[%add3A_34, %dma_wait3A] : memref<10240x16xf32, #tpu.memory_space<vmem_shared>> -> memref<128x16xf32, #tpu.memory_space<vmem_shared>>
      %dma_wait3A_58 = arith.constant 0 : i32
      %dma_wait3A_59 = tpu.memref_slice %arg10[%add3A_34, %dma_wait3A_58] : memref<10240x16xf32, #tpu.memory_space<vmem_shared>> -> memref<128x16xf32, #tpu.memory_space<vmem_shared>>
      tpu.wait_dma2 semaphore(%run_scoped3A : memref<!tpu.dma_semaphore, #tpu.memory_space<semaphore_mem>>) src(%arg15 : memref<128x16xf32, #tpu.memory_space<vmem>>) dst(%dma_wait3A_59 : memref<128x16xf32, #tpu.memory_space<vmem_shared>>)
      tpu.yield
    }) : () -> ()
    "tpu.region"() ({
      %run_scoped3A = tpu.sem_alloc : memref<!tpu.dma_semaphore, #tpu.memory_space<semaphore_mem>>
      tpu.enqueue_dma source(%arg6 : memref<1x16xf32, #tpu.memory_space<hbm>>) target(%arg17 : memref<1x16xf32, #tpu.memory_space<vmem>>) target_semaphore(%run_scoped3A : memref<!tpu.dma_semaphore, #tpu.memory_space<semaphore_mem>>)
      tpu.wait_dma2 semaphore(%run_scoped3A : memref<!tpu.dma_semaphore, #tpu.memory_space<semaphore_mem>>) src(%arg6 : memref<1x16xf32, #tpu.memory_space<hbm>>) dst(%arg17 : memref<1x16xf32, #tpu.memory_space<vmem>>)
      tpu.yield
    }) : () -> ()
    %barrier3A = arith.constant 0 : index
    tpu.barrier barrier_id(%barrier3A)
    %get3A = arith.constant 0 : i32
    %get3A_35 = arith.index_cast %get3A : i32 to index
    %get3A_36 = arith.constant 0 : index
    %get3A_37 = tpu.vector_load %arg17[%get3A_35, %get3A_36] {strides = array<i32>} : memref<1x16xf32, #tpu.memory_space<vmem>>, vector<1x16xf32>,
    %get3A_38 = vector.shape_cast %get3A_37 : vector<1x16xf32> to vector<16xf32>
    %iota3A = tpu.iota {dimensions = array<i32: 0>} : vector<16xi32>
    %and3A = arith.constant 7 : i32
    %and3A_39 = vector.broadcast %and3A : i32 to vector<16xi32>
    %and3A_40 = arith.andi %iota3A, %and3A_39 : vector<16xi32>
    %add3A_41 = arith.constant 8 : i32
    %add3A_42 = vector.broadcast %add3A_41 : i32 to vector<16xi32>
    %add3A_43 = arith.addi %and3A_40, %add3A_42 : vector<16xi32>
    %mul3A_44 = arith.constant 81 : i32
    %mul3A_45 = arith.muli %add3A, %mul3A_44 : i32
    %mul3A_46 = arith.constant 128 : i32
    %mul3A_47 = arith.muli %mul3A_45, %mul3A_46 : i32
    %scan3A_48 = arith.constant 0 : i32
    %scan3A_49 = arith.constant 81 : i32
    %scan3A_50 = arith.addi %scan3A_48, %scan3A_49 : i32
    %scan3A_51 = arith.constant 1 : i32
    scf.for %scan3A_54 = %scan3A_48 to %scan3A_50 step %scan3A_51  : i32 {
      %mul3A_55 = arith.constant 1 : i32
      %mul3A_56 = arith.muli %scan3A_54, %mul3A_55 : i32
      %add3A_57 = arith.constant 0 : i32
      %add3A_58 = arith.addi %add3A_57, %mul3A_56 : i32
      %mul3A_59 = arith.constant 128 : i32
      %mul3A_60 = arith.muli %add3A_58, %mul3A_59 : i32
      %add3A_61 = arith.addi %mul3A_47, %mul3A_60 : i32
      "tpu.region"() ({
        %run_scoped3A = tpu.sem_alloc : memref<!tpu.dma_semaphore, #tpu.memory_space<semaphore_mem>>
        %dma_start3A = tpu.memref_slice %arg4[%add3A_61] : memref<331776xi32, #tpu.memory_space<hbm>> -> memref<128xi32, #tpu.memory_space<hbm>>
        %dma_start3A_72 = tpu.memref_slice %arg4[%add3A_61] : memref<331776xi32, #tpu.memory_space<hbm>> -> memref<128xi32, #tpu.memory_space<hbm>>
        tpu.enqueue_dma source(%dma_start3A_72 : memref<128xi32, #tpu.memory_space<hbm>>) target(%arg11 : memref<128xi32, #tpu.memory_space<vmem>>) target_semaphore(%run_scoped3A : memref<!tpu.dma_semaphore, #tpu.memory_space<semaphore_mem>>)
        %dma_wait3A = tpu.memref_slice %arg4[%add3A_61] : memref<331776xi32, #tpu.memory_space<hbm>> -> memref<128xi32, #tpu.memory_space<hbm>>
        %dma_wait3A_73 = tpu.memref_slice %arg4[%add3A_61] : memref<331776xi32, #tpu.memory_space<hbm>> -> memref<128xi32, #tpu.memory_space<hbm>>
        tpu.wait_dma2 semaphore(%run_scoped3A : memref<!tpu.dma_semaphore, #tpu.memory_space<semaphore_mem>>) src(%dma_wait3A_73 : memref<128xi32, #tpu.memory_space<hbm>>) dst(%arg11 : memref<128xi32, #tpu.memory_space<vmem>>)
        tpu.yield
      }) : () -> ()
      "tpu.region"() ({
        %run_scoped3A = tpu.sem_alloc : memref<!tpu.dma_semaphore, #tpu.memory_space<semaphore_mem>>
        %dma_start3A = tpu.memref_slice %arg5[%add3A_61] : memref<331776xi32, #tpu.memory_space<hbm>> -> memref<128xi32, #tpu.memory_space<hbm>>
        %dma_start3A_72 = tpu.memref_slice %arg5[%add3A_61] : memref<331776xi32, #tpu.memory_space<hbm>> -> memref<128xi32, #tpu.memory_space<hbm>>
        tpu.enqueue_dma source(%dma_start3A_72 : memref<128xi32, #tpu.memory_space<hbm>>) target(%arg12 : memref<128xi32, #tpu.memory_space<vmem>>) target_semaphore(%run_scoped3A : memref<!tpu.dma_semaphore, #tpu.memory_space<semaphore_mem>>)
        %dma_wait3A = tpu.memref_slice %arg5[%add3A_61] : memref<331776xi32, #tpu.memory_space<hbm>> -> memref<128xi32, #tpu.memory_space<hbm>>
        %dma_wait3A_73 = tpu.memref_slice %arg5[%add3A_61] : memref<331776xi32, #tpu.memory_space<hbm>> -> memref<128xi32, #tpu.memory_space<hbm>>
        tpu.wait_dma2 semaphore(%run_scoped3A : memref<!tpu.dma_semaphore, #tpu.memory_space<semaphore_mem>>) src(%dma_wait3A_73 : memref<128xi32, #tpu.memory_space<hbm>>) dst(%arg12 : memref<128xi32, #tpu.memory_space<vmem>>)
        tpu.yield
      }) : () -> ()
      "tpu.region"() ({
        %run_scoped3A = tpu.sem_alloc : memref<!tpu.dma_semaphore, #tpu.memory_space<semaphore_mem>>
        %dma_start3A = arith.constant 0 : i32
        %dma_start3A_72 = arith.constant 0 : i32
        %dma_start3A_73 = tpu.memref_slice %arg2[%dma_start3A, %dma_start3A_72] : memref<10240x16xf32, #tpu.memory_space<hbm>> -> memref<10240x16xf32, #tpu.memory_space<hbm>>
        tpu.enqueue_indirect_dma source(%dma_start3A_73 : memref<10240x16xf32, #tpu.memory_space<hbm>>) target(%arg13 : memref<128x16xf32, #tpu.memory_space<vmem>>) offsets(%arg11 : memref<128xi32, #tpu.memory_space<vmem>>) semaphore(%run_scoped3A : memref<!tpu.dma_semaphore, #tpu.memory_space<semaphore_mem>>)
        %dma_wait3A = arith.constant 0 : i32
        %dma_wait3A_74 = arith.constant 0 : i32
        %dma_wait3A_75 = tpu.memref_slice %arg2[%dma_wait3A, %dma_wait3A_74] : memref<10240x16xf32, #tpu.memory_space<hbm>> -> memref<10240x16xf32, #tpu.memory_space<hbm>>
        tpu.wait_indirect_dma semaphore(%run_scoped3A : memref<!tpu.dma_semaphore, #tpu.memory_space<semaphore_mem>>) src(%dma_wait3A_75 : memref<10240x16xf32, #tpu.memory_space<hbm>>) dst(%arg13 : memref<128x16xf32, #tpu.memory_space<vmem>>)
        tpu.yield
      }) : () -> ()
      "tpu.region"() ({
        %run_scoped3A = tpu.sem_alloc : memref<!tpu.dma_semaphore, #tpu.memory_space<semaphore_mem>>
        %dma_start3A = arith.constant 0 : i32
        %dma_start3A_72 = arith.constant 0 : i32
        %dma_start3A_73 = tpu.memref_slice %arg2[%dma_start3A, %dma_start3A_72] : memref<10240x16xf32, #tpu.memory_space<hbm>> -> memref<10240x16xf32, #tpu.memory_space<hbm>>
        tpu.enqueue_indirect_dma source(%dma_start3A_73 : memref<10240x16xf32, #tpu.memory_space<hbm>>) target(%arg14 : memref<128x16xf32, #tpu.memory_space<vmem>>) offsets(%arg12 : memref<128xi32, #tpu.memory_space<vmem>>) semaphore(%run_scoped3A : memref<!tpu.dma_semaphore, #tpu.memory_space<semaphore_mem>>)
        %dma_wait3A = arith.constant 0 : i32
        %dma_wait3A_74 = arith.constant 0 : i32
        %dma_wait3A_75 = tpu.memref_slice %arg2[%dma_wait3A, %dma_wait3A_74] : memref<10240x16xf32, #tpu.memory_space<hbm>> -> memref<10240x16xf32, #tpu.memory_space<hbm>>
        tpu.wait_indirect_dma semaphore(%run_scoped3A : memref<!tpu.dma_semaphore, #tpu.memory_space<semaphore_mem>>) src(%dma_wait3A_75 : memref<10240x16xf32, #tpu.memory_space<hbm>>) dst(%arg14 : memref<128x16xf32, #tpu.memory_space<vmem>>)
        tpu.yield
      }) : () -> ()
      "tpu.region"() ({
        %run_scoped3A = tpu.sem_alloc : memref<!tpu.dma_semaphore, #tpu.memory_space<semaphore_mem>>
        %dma_start3A = arith.constant 0 : i32
        %dma_start3A_72 = arith.constant 0 : i32
        %dma_start3A_73 = tpu.memref_slice %arg3[%dma_start3A, %dma_start3A_72] : memref<10240x128xf32, #tpu.memory_space<hbm>> -> memref<10240x128xf32, #tpu.memory_space<hbm>>
        tpu.enqueue_indirect_dma source(%dma_start3A_73 : memref<10240x128xf32, #tpu.memory_space<hbm>>) target(%arg16 : memref<128x128xf32, #tpu.memory_space<vmem>>) offsets(%arg11 : memref<128xi32, #tpu.memory_space<vmem>>) semaphore(%run_scoped3A : memref<!tpu.dma_semaphore, #tpu.memory_space<semaphore_mem>>)
        %dma_wait3A = arith.constant 0 : i32
        %dma_wait3A_74 = arith.constant 0 : i32
        %dma_wait3A_75 = tpu.memref_slice %arg3[%dma_wait3A, %dma_wait3A_74] : memref<10240x128xf32, #tpu.memory_space<hbm>> -> memref<10240x128xf32, #tpu.memory_space<hbm>>
        tpu.wait_indirect_dma semaphore(%run_scoped3A : memref<!tpu.dma_semaphore, #tpu.memory_space<semaphore_mem>>) src(%dma_wait3A_75 : memref<10240x128xf32, #tpu.memory_space<hbm>>) dst(%arg16 : memref<128x128xf32, #tpu.memory_space<vmem>>)
        tpu.yield
      }) : () -> ()
      %scan3A_62 = arith.constant 0 : i32
      %scan3A_63 = arith.constant 128 : i32
      %scan3A_64 = arith.addi %scan3A_62, %scan3A_63 : i32
      %scan3A_65 = arith.constant 1 : i32
      scf.for %scan3A_72 = %scan3A_62 to %scan3A_64 step %scan3A_65  : i32 {
        %mul3A_73 = arith.constant 1 : i32
        %mul3A_74 = arith.muli %scan3A_72, %mul3A_73 : i32
        %add3A_75 = arith.constant 0 : i32
        %add3A_76 = arith.addi %add3A_75, %mul3A_74 : i32
        %get3A_77 = arith.index_cast %add3A_76 : i32 to index
        %get3A_78 = arith.constant 0 : index
        %get3A_79 = tpu.vector_load %arg13[%get3A_77, %get3A_78] {strides = array<i32>} : memref<128x16xf32, #tpu.memory_space<vmem>>, vector<1x16xf32>,
        %get3A_80 = vector.shape_cast %get3A_79 : vector<1x16xf32> to vector<16xf32>
        %get3A_81 = arith.index_cast %add3A_76 : i32 to index
        %get3A_82 = arith.constant 0 : index
        %get3A_83 = tpu.vector_load %arg14[%get3A_81, %get3A_82] {strides = array<i32>} : memref<128x16xf32, #tpu.memory_space<vmem>>, vector<1x16xf32>,
        %get3A_84 = vector.shape_cast %get3A_83 : vector<1x16xf32> to vector<16xf32>
        %broadcast_in_dim3A_85 = vector.shape_cast %add3A_43 : vector<16xi32> to vector<16x1xi32>
        %gather3A = vector.shape_cast %broadcast_in_dim3A_85 : vector<16x1xi32> to vector<16xi32>
        %gather3A_86 = tpu.dynamic_gather %get3A_84[%gather3A] in [0] : vector<16xf32>, vector<16xi32> -> vector<16xf32>
        %add3A_87 = arith.addf %get3A_80, %gather3A_86 : vector<16xf32>
        %mul3A_88 = arith.constant 2.000000e-01 : f32
        %mul3A_89 = vector.broadcast %mul3A_88 : f32 to vector<16xf32>
        %mul3A_90 = arith.mulf %mul3A_89, %add3A_87 : vector<16xf32>
        %max3A = arith.maximumf %add3A_87, %mul3A_90 : vector<16xf32>
        %sub3A = arith.subf %max3A, %get3A_38 : vector<16xf32>
        %exp3A = math.exp %sub3A : vector<16xf32>
        %swap3A = arith.index_cast %add3A_76 : i32 to index
        %swap3A_91 = arith.constant 0 : index
        %swap3A_92 = tpu.vector_load %arg15[%swap3A, %swap3A_91] {strides = array<i32>} : memref<128x16xf32, #tpu.memory_space<vmem>>, vector<1x16xf32>,
        %swap3A_93 = vector.shape_cast %swap3A_92 : vector<1x16xf32> to vector<16xf32>
        %swap3A_94 = vector.shape_cast %exp3A : vector<16xf32> to vector<1x16xf32>
        tpu.vector_store %arg15[%swap3A, %swap3A_91], %swap3A_94 {strides = array<i32>} : memref<128x16xf32, #tpu.memory_space<vmem>>, vector<1x16xf32>,
      }
      %scan3A_66 = arith.constant 128 : i32
      "tpu.region"() ({
        %run_scoped3A = tpu.sem_alloc : memref<!tpu.dma_semaphore, #tpu.memory_space<semaphore_mem>>
        %dma_start3A = arith.constant 0 : i32
        %dma_start3A_72 = arith.constant 0 : i32
        %dma_start3A_73 = tpu.memref_slice %arg10[%dma_start3A, %dma_start3A_72] : memref<10240x16xf32, #tpu.memory_space<vmem_shared>> -> memref<10240x16xf32, #tpu.memory_space<vmem_shared>>
        tpu.enqueue_indirect_dma source(%arg15 : memref<128x16xf32, #tpu.memory_space<vmem>>) target(%dma_start3A_73 : memref<10240x16xf32, #tpu.memory_space<vmem_shared>>) offsets(%arg12 : memref<128xi32, #tpu.memory_space<vmem>>) semaphore(%run_scoped3A : memref<!tpu.dma_semaphore, #tpu.memory_space<semaphore_mem>>) {add = true}
        %dma_wait3A = arith.constant 0 : i32
        %dma_wait3A_74 = arith.constant 0 : i32
        %dma_wait3A_75 = tpu.memref_slice %arg10[%dma_wait3A, %dma_wait3A_74] : memref<10240x16xf32, #tpu.memory_space<vmem_shared>> -> memref<10240x16xf32, #tpu.memory_space<vmem_shared>>
        tpu.wait_indirect_dma semaphore(%run_scoped3A : memref<!tpu.dma_semaphore, #tpu.memory_space<semaphore_mem>>) src(%arg15 : memref<128x16xf32, #tpu.memory_space<vmem>>) dst(%dma_wait3A_75 : memref<10240x16xf32, #tpu.memory_space<vmem_shared>>)
        tpu.yield
      }) : () -> ()
      %scan3A_67 = arith.constant 0 : i32
      %scan3A_68 = arith.constant 128 : i32
      %scan3A_69 = arith.addi %scan3A_67, %scan3A_68 : i32
      %scan3A_70 = arith.constant 1 : i32
      scf.for %scan3A_72 = %scan3A_67 to %scan3A_69 step %scan3A_70  : i32 {
        %mul3A_73 = arith.constant 1 : i32
        %mul3A_74 = arith.muli %scan3A_72, %mul3A_73 : i32
        %add3A_75 = arith.constant 0 : i32
        %add3A_76 = arith.addi %add3A_75, %mul3A_74 : i32
        %get3A_77 = arith.index_cast %add3A_76 : i32 to index
        %get3A_78 = arith.constant 0 : index
        %get3A_79 = tpu.vector_load %arg15[%get3A_77, %get3A_78] {strides = array<i32>} : memref<128x16xf32, #tpu.memory_space<vmem>>, vector<1x16xf32>,
        %get3A_80 = vector.shape_cast %get3A_79 : vector<1x16xf32> to vector<16xf32>
        %broadcast_in_dim3A_81 = arith.constant 0 : i32
        %broadcast_in_dim3A_82 = vector.broadcast %broadcast_in_dim3A_81 : i32 to vector<16xi32>
        %broadcast_in_dim3A_83 = vector.shape_cast %broadcast_in_dim3A_82 : vector<16xi32> to vector<16x1xi32>
        %gather3A = vector.shape_cast %broadcast_in_dim3A_83 : vector<16x1xi32> to vector<16xi32>
        %gather3A_84 = tpu.dynamic_gather %get3A_80[%gather3A] in [0] : vector<16xf32>, vector<16xi32> -> vector<16xf32>
        %get3A_85 = arith.index_cast %add3A_76 : i32 to index
        %get3A_86 = arith.constant 0 : index
        %get3A_87 = tpu.vector_load %arg16[%get3A_85, %get3A_86] {strides = array<i32>} : memref<128x128xf32, #tpu.memory_space<vmem>>, vector<1x16xf32>,
        %get3A_88 = vector.shape_cast %get3A_87 : vector<1x16xf32> to vector<16xf32>
        %mul3A_89 = arith.mulf %get3A_88, %gather3A_84 : vector<16xf32>
        %swap3A = arith.index_cast %add3A_76 : i32 to index
        %swap3A_90 = arith.constant 0 : index
        %swap3A_91 = tpu.vector_load %arg16[%swap3A, %swap3A_90] {strides = array<i32>} : memref<128x128xf32, #tpu.memory_space<vmem>>, vector<1x16xf32>,
        %swap3A_92 = vector.shape_cast %swap3A_91 : vector<1x16xf32> to vector<16xf32>
        %swap3A_93 = vector.shape_cast %mul3A_89 : vector<16xf32> to vector<1x16xf32>
        tpu.vector_store %arg16[%swap3A, %swap3A_90], %swap3A_93 {strides = array<i32>} : memref<128x128xf32, #tpu.memory_space<vmem>>, vector<1x16xf32>,
        %broadcast_in_dim3A_94 = arith.constant 1 : i32
        %broadcast_in_dim3A_95 = vector.broadcast %broadcast_in_dim3A_94 : i32 to vector<16xi32>
        %broadcast_in_dim3A_96 = vector.shape_cast %broadcast_in_dim3A_95 : vector<16xi32> to vector<16x1xi32>
        %gather3A_97 = vector.shape_cast %broadcast_in_dim3A_96 : vector<16x1xi32> to vector<16xi32>
        %gather3A_98 = tpu.dynamic_gather %get3A_80[%gather3A_97] in [0] : vector<16xf32>, vector<16xi32> -> vector<16xf32>
        %get3A_99 = arith.index_cast %add3A_76 : i32 to index
        %get3A_100 = arith.constant 16 : index
        %get3A_101 = tpu.vector_load %arg16[%get3A_99, %get3A_100] {strides = array<i32>} : memref<128x128xf32, #tpu.memory_space<vmem>>, vector<1x16xf32>,
        %get3A_102 = vector.shape_cast %get3A_101 : vector<1x16xf32> to vector<16xf32>
        %mul3A_103 = arith.mulf %get3A_102, %gather3A_98 : vector<16xf32>
        %swap3A_104 = arith.index_cast %add3A_76 : i32 to index
        %swap3A_105 = arith.constant 16 : index
        %swap3A_106 = tpu.vector_load %arg16[%swap3A_104, %swap3A_105] {strides = array<i32>} : memref<128x128xf32, #tpu.memory_space<vmem>>, vector<1x16xf32>,
        %swap3A_107 = vector.shape_cast %swap3A_106 : vector<1x16xf32> to vector<16xf32>
        %swap3A_108 = vector.shape_cast %mul3A_103 : vector<16xf32> to vector<1x16xf32>
        tpu.vector_store %arg16[%swap3A_104, %swap3A_105], %swap3A_108 {strides = array<i32>} : memref<128x128xf32, #tpu.memory_space<vmem>>, vector<1x16xf32>,
        %broadcast_in_dim3A_109 = arith.constant 2 : i32
        %broadcast_in_dim3A_110 = vector.broadcast %broadcast_in_dim3A_109 : i32 to vector<16xi32>
        %broadcast_in_dim3A_111 = vector.shape_cast %broadcast_in_dim3A_110 : vector<16xi32> to vector<16x1xi32>
        %gather3A_112 = vector.shape_cast %broadcast_in_dim3A_111 : vector<16x1xi32> to vector<16xi32>
        %gather3A_113 = tpu.dynamic_gather %get3A_80[%gather3A_112] in [0] : vector<16xf32>, vector<16xi32> -> vector<16xf32>
        %get3A_114 = arith.index_cast %add3A_76 : i32 to index
        %get3A_115 = arith.constant 32 : index
        %get3A_116 = tpu.vector_load %arg16[%get3A_114, %get3A_115] {strides = array<i32>} : memref<128x128xf32, #tpu.memory_space<vmem>>, vector<1x16xf32>,
        %get3A_117 = vector.shape_cast %get3A_116 : vector<1x16xf32> to vector<16xf32>
        %mul3A_118 = arith.mulf %get3A_117, %gather3A_113 : vector<16xf32>
        %swap3A_119 = arith.index_cast %add3A_76 : i32 to index
        %swap3A_120 = arith.constant 32 : index
        %swap3A_121 = tpu.vector_load %arg16[%swap3A_119, %swap3A_120] {strides = array<i32>} : memref<128x128xf32, #tpu.memory_space<vmem>>, vector<1x16xf32>,
        %swap3A_122 = vector.shape_cast %swap3A_121 : vector<1x16xf32> to vector<16xf32>
        %swap3A_123 = vector.shape_cast %mul3A_118 : vector<16xf32> to vector<1x16xf32>
        tpu.vector_store %arg16[%swap3A_119, %swap3A_120], %swap3A_123 {strides = array<i32>} : memref<128x128xf32, #tpu.memory_space<vmem>>, vector<1x16xf32>,
        %broadcast_in_dim3A_124 = arith.constant 3 : i32
        %broadcast_in_dim3A_125 = vector.broadcast %broadcast_in_dim3A_124 : i32 to vector<16xi32>
        %broadcast_in_dim3A_126 = vector.shape_cast %broadcast_in_dim3A_125 : vector<16xi32> to vector<16x1xi32>
        %gather3A_127 = vector.shape_cast %broadcast_in_dim3A_126 : vector<16x1xi32> to vector<16xi32>
        %gather3A_128 = tpu.dynamic_gather %get3A_80[%gather3A_127] in [0] : vector<16xf32>, vector<16xi32> -> vector<16xf32>
        %get3A_129 = arith.index_cast %add3A_76 : i32 to index
        %get3A_130 = arith.constant 48 : index
        %get3A_131 = tpu.vector_load %arg16[%get3A_129, %get3A_130] {strides = array<i32>} : memref<128x128xf32, #tpu.memory_space<vmem>>, vector<1x16xf32>,
        %get3A_132 = vector.shape_cast %get3A_131 : vector<1x16xf32> to vector<16xf32>
        %mul3A_133 = arith.mulf %get3A_132, %gather3A_128 : vector<16xf32>
        %swap3A_134 = arith.index_cast %add3A_76 : i32 to index
        %swap3A_135 = arith.constant 48 : index
        %swap3A_136 = tpu.vector_load %arg16[%swap3A_134, %swap3A_135] {strides = array<i32>} : memref<128x128xf32, #tpu.memory_space<vmem>>, vector<1x16xf32>,
        %swap3A_137 = vector.shape_cast %swap3A_136 : vector<1x16xf32> to vector<16xf32>
        %swap3A_138 = vector.shape_cast %mul3A_133 : vector<16xf32> to vector<1x16xf32>
        tpu.vector_store %arg16[%swap3A_134, %swap3A_135], %swap3A_138 {strides = array<i32>} : memref<128x128xf32, #tpu.memory_space<vmem>>, vector<1x16xf32>,
        %broadcast_in_dim3A_139 = arith.constant 4 : i32
        %broadcast_in_dim3A_140 = vector.broadcast %broadcast_in_dim3A_139 : i32 to vector<16xi32>
        %broadcast_in_dim3A_141 = vector.shape_cast %broadcast_in_dim3A_140 : vector<16xi32> to vector<16x1xi32>
        %gather3A_142 = vector.shape_cast %broadcast_in_dim3A_141 : vector<16x1xi32> to vector<16xi32>
        %gather3A_143 = tpu.dynamic_gather %get3A_80[%gather3A_142] in [0] : vector<16xf32>, vector<16xi32> -> vector<16xf32>
        %get3A_144 = arith.index_cast %add3A_76 : i32 to index
        %get3A_145 = arith.constant 64 : index
        %get3A_146 = tpu.vector_load %arg16[%get3A_144, %get3A_145] {strides = array<i32>} : memref<128x128xf32, #tpu.memory_space<vmem>>, vector<1x16xf32>,
        %get3A_147 = vector.shape_cast %get3A_146 : vector<1x16xf32> to vector<16xf32>
        %mul3A_148 = arith.mulf %get3A_147, %gather3A_143 : vector<16xf32>
        %swap3A_149 = arith.index_cast %add3A_76 : i32 to index
        %swap3A_150 = arith.constant 64 : index
        %swap3A_151 = tpu.vector_load %arg16[%swap3A_149, %swap3A_150] {strides = array<i32>} : memref<128x128xf32, #tpu.memory_space<vmem>>, vector<1x16xf32>,
        %swap3A_152 = vector.shape_cast %swap3A_151 : vector<1x16xf32> to vector<16xf32>
        %swap3A_153 = vector.shape_cast %mul3A_148 : vector<16xf32> to vector<1x16xf32>
        tpu.vector_store %arg16[%swap3A_149, %swap3A_150], %swap3A_153 {strides = array<i32>} : memref<128x128xf32, #tpu.memory_space<vmem>>, vector<1x16xf32>,
        %broadcast_in_dim3A_154 = arith.constant 5 : i32
        %broadcast_in_dim3A_155 = vector.broadcast %broadcast_in_dim3A_154 : i32 to vector<16xi32>
        %broadcast_in_dim3A_156 = vector.shape_cast %broadcast_in_dim3A_155 : vector<16xi32> to vector<16x1xi32>
        %gather3A_157 = vector.shape_cast %broadcast_in_dim3A_156 : vector<16x1xi32> to vector<16xi32>
        %gather3A_158 = tpu.dynamic_gather %get3A_80[%gather3A_157] in [0] : vector<16xf32>, vector<16xi32> -> vector<16xf32>
        %get3A_159 = arith.index_cast %add3A_76 : i32 to index
        %get3A_160 = arith.constant 80 : index
        %get3A_161 = tpu.vector_load %arg16[%get3A_159, %get3A_160] {strides = array<i32>} : memref<128x128xf32, #tpu.memory_space<vmem>>, vector<1x16xf32>,
        %get3A_162 = vector.shape_cast %get3A_161 : vector<1x16xf32> to vector<16xf32>
        %mul3A_163 = arith.mulf %get3A_162, %gather3A_158 : vector<16xf32>
        %swap3A_164 = arith.index_cast %add3A_76 : i32 to index
        %swap3A_165 = arith.constant 80 : index
        %swap3A_166 = tpu.vector_load %arg16[%swap3A_164, %swap3A_165] {strides = array<i32>} : memref<128x128xf32, #tpu.memory_space<vmem>>, vector<1x16xf32>,
        %swap3A_167 = vector.shape_cast %swap3A_166 : vector<1x16xf32> to vector<16xf32>
        %swap3A_168 = vector.shape_cast %mul3A_163 : vector<16xf32> to vector<1x16xf32>
        tpu.vector_store %arg16[%swap3A_164, %swap3A_165], %swap3A_168 {strides = array<i32>} : memref<128x128xf32, #tpu.memory_space<vmem>>, vector<1x16xf32>,
        %broadcast_in_dim3A_169 = arith.constant 6 : i32
        %broadcast_in_dim3A_170 = vector.broadcast %broadcast_in_dim3A_169 : i32 to vector<16xi32>
        %broadcast_in_dim3A_171 = vector.shape_cast %broadcast_in_dim3A_170 : vector<16xi32> to vector<16x1xi32>
        %gather3A_172 = vector.shape_cast %broadcast_in_dim3A_171 : vector<16x1xi32> to vector<16xi32>
        %gather3A_173 = tpu.dynamic_gather %get3A_80[%gather3A_172] in [0] : vector<16xf32>, vector<16xi32> -> vector<16xf32>
        %get3A_174 = arith.index_cast %add3A_76 : i32 to index
        %get3A_175 = arith.constant 96 : index
        %get3A_176 = tpu.vector_load %arg16[%get3A_174, %get3A_175] {strides = array<i32>} : memref<128x128xf32, #tpu.memory_space<vmem>>, vector<1x16xf32>,
        %get3A_177 = vector.shape_cast %get3A_176 : vector<1x16xf32> to vector<16xf32>
        %mul3A_178 = arith.mulf %get3A_177, %gather3A_173 : vector<16xf32>
        %swap3A_179 = arith.index_cast %add3A_76 : i32 to index
        %swap3A_180 = arith.constant 96 : index
        %swap3A_181 = tpu.vector_load %arg16[%swap3A_179, %swap3A_180] {strides = array<i32>} : memref<128x128xf32, #tpu.memory_space<vmem>>, vector<1x16xf32>,
        %swap3A_182 = vector.shape_cast %swap3A_181 : vector<1x16xf32> to vector<16xf32>
        %swap3A_183 = vector.shape_cast %mul3A_178 : vector<16xf32> to vector<1x16xf32>
        tpu.vector_store %arg16[%swap3A_179, %swap3A_180], %swap3A_183 {strides = array<i32>} : memref<128x128xf32, #tpu.memory_space<vmem>>, vector<1x16xf32>,
        %broadcast_in_dim3A_184 = arith.constant 7 : i32
        %broadcast_in_dim3A_185 = vector.broadcast %broadcast_in_dim3A_184 : i32 to vector<16xi32>
        %broadcast_in_dim3A_186 = vector.shape_cast %broadcast_in_dim3A_185 : vector<16xi32> to vector<16x1xi32>
        %gather3A_187 = vector.shape_cast %broadcast_in_dim3A_186 : vector<16x1xi32> to vector<16xi32>
        %gather3A_188 = tpu.dynamic_gather %get3A_80[%gather3A_187] in [0] : vector<16xf32>, vector<16xi32> -> vector<16xf32>
        %get3A_189 = arith.index_cast %add3A_76 : i32 to index
        %get3A_190 = arith.constant 112 : index
        %get3A_191 = tpu.vector_load %arg16[%get3A_189, %get3A_190] {strides = array<i32>} : memref<128x128xf32, #tpu.memory_space<vmem>>, vector<1x16xf32>,
        %get3A_192 = vector.shape_cast %get3A_191 : vector<1x16xf32> to vector<16xf32>
        %mul3A_193 = arith.mulf %get3A_192, %gather3A_188 : vector<16xf32>
        %swap3A_194 = arith.index_cast %add3A_76 : i32 to index
        %swap3A_195 = arith.constant 112 : index
        %swap3A_196 = tpu.vector_load %arg16[%swap3A_194, %swap3A_195] {strides = array<i32>} : memref<128x128xf32, #tpu.memory_space<vmem>>, vector<1x16xf32>,
        %swap3A_197 = vector.shape_cast %swap3A_196 : vector<1x16xf32> to vector<16xf32>
        %swap3A_198 = vector.shape_cast %mul3A_193 : vector<16xf32> to vector<1x16xf32>
        tpu.vector_store %arg16[%swap3A_194, %swap3A_195], %swap3A_198 {strides = array<i32>} : memref<128x128xf32, #tpu.memory_space<vmem>>, vector<1x16xf32>,
      }
      %scan3A_71 = arith.constant 128 : i32
      "tpu.region"() ({
        %run_scoped3A = tpu.sem_alloc : memref<!tpu.dma_semaphore, #tpu.memory_space<semaphore_mem>>
        %dma_start3A = arith.constant 0 : i32
        %dma_start3A_72 = arith.constant 0 : i32
        %dma_start3A_73 = tpu.memref_slice %arg9[%dma_start3A, %dma_start3A_72] : memref<10240x128xf32, #tpu.memory_space<vmem_shared>> -> memref<10240x128xf32, #tpu.memory_space<vmem_shared>>
        tpu.enqueue_indirect_dma source(%arg16 : memref<128x128xf32, #tpu.memory_space<vmem>>) target(%dma_start3A_73 : memref<10240x128xf32, #tpu.memory_space<vmem_shared>>) offsets(%arg12 : memref<128xi32, #tpu.memory_space<vmem>>) semaphore(%run_scoped3A : memref<!tpu.dma_semaphore, #tpu.memory_space<semaphore_mem>>) {add = true}
        %dma_wait3A = arith.constant 0 : i32
        %dma_wait3A_74 = arith.constant 0 : i32
        %dma_wait3A_75 = tpu.memref_slice %arg9[%dma_wait3A, %dma_wait3A_74] : memref<10240x128xf32, #tpu.memory_space<vmem_shared>> -> memref<10240x128xf32, #tpu.memory_space<vmem_shared>>
        tpu.wait_indirect_dma semaphore(%run_scoped3A : memref<!tpu.dma_semaphore, #tpu.memory_space<semaphore_mem>>) src(%arg16 : memref<128x128xf32, #tpu.memory_space<vmem>>) dst(%dma_wait3A_75 : memref<10240x128xf32, #tpu.memory_space<vmem_shared>>)
        tpu.yield
      }) : () -> ()
    }
    %scan3A_52 = arith.constant 81 : i32
    %barrier3A_53 = arith.constant 0 : index
    tpu.barrier barrier_id(%barrier3A_53)
    "tpu.region"() ({
      %run_scoped3A = tpu.sem_alloc : memref<!tpu.dma_semaphore, #tpu.memory_space<semaphore_mem>>
      %dma_start3A = arith.constant 0 : i32
      %dma_start3A_54 = tpu.memref_slice %arg7[%arg0, %mul3A_14, %dma_start3A] : memref<2x10240x128xf32, #tpu.memory_space<hbm>> -> memref<1x640x128xf32, #tpu.memory_space<hbm>>
      %dma_start3A_55 = tpu.memref_squeeze %dma_start3A_54 : memref<1x640x128xf32, #tpu.memory_space<hbm>> -> memref<640x128xf32, #tpu.memory_space<hbm>>
      %dma_start3A_56 = arith.constant 0 : i32
      %dma_start3A_57 = tpu.memref_slice %arg9[%mul3A_14, %dma_start3A_56] : memref<10240x128xf32, #tpu.memory_space<vmem_shared>> -> memref<640x128xf32, #tpu.memory_space<vmem_shared>>
      tpu.enqueue_dma source(%dma_start3A_57 : memref<640x128xf32, #tpu.memory_space<vmem_shared>>) target(%dma_start3A_55 : memref<640x128xf32, #tpu.memory_space<hbm>>) target_semaphore(%run_scoped3A : memref<!tpu.dma_semaphore, #tpu.memory_space<semaphore_mem>>)
      %dma_wait3A = arith.constant 0 : i32
      %dma_wait3A_58 = tpu.memref_slice %arg7[%arg0, %mul3A_14, %dma_wait3A] : memref<2x10240x128xf32, #tpu.memory_space<hbm>> -> memref<1x640x128xf32, #tpu.memory_space<hbm>>
      %dma_wait3A_59 = tpu.memref_squeeze %dma_wait3A_58 : memref<1x640x128xf32, #tpu.memory_space<hbm>> -> memref<640x128xf32, #tpu.memory_space<hbm>>
      %dma_wait3A_60 = arith.constant 0 : i32
      %dma_wait3A_61 = tpu.memref_slice %arg9[%mul3A_14, %dma_wait3A_60] : memref<10240x128xf32, #tpu.memory_space<vmem_shared>> -> memref<640x128xf32, #tpu.memory_space<vmem_shared>>
      tpu.wait_dma2 semaphore(%run_scoped3A : memref<!tpu.dma_semaphore, #tpu.memory_space<semaphore_mem>>) src(%dma_wait3A_61 : memref<640x128xf32, #tpu.memory_space<vmem_shared>>) dst(%dma_wait3A_59 : memref<640x128xf32, #tpu.memory_space<hbm>>)
      tpu.yield
    }) : () -> ()
    "tpu.region"() ({
      %run_scoped3A = tpu.sem_alloc : memref<!tpu.dma_semaphore, #tpu.memory_space<semaphore_mem>>
      %dma_start3A = arith.constant 0 : i32
      %dma_start3A_54 = tpu.memref_slice %arg8[%arg0, %mul3A_14, %dma_start3A] : memref<2x10240x16xf32, #tpu.memory_space<hbm>> -> memref<1x640x16xf32, #tpu.memory_space<hbm>>
      %dma_start3A_55 = tpu.memref_squeeze %dma_start3A_54 : memref<1x640x16xf32, #tpu.memory_space<hbm>> -> memref<640x16xf32, #tpu.memory_space<hbm>>
      %dma_start3A_56 = arith.constant 0 : i32
      %dma_start3A_57 = tpu.memref_slice %arg10[%mul3A_14, %dma_start3A_56] : memref<10240x16xf32, #tpu.memory_space<vmem_shared>> -> memref<640x16xf32, #tpu.memory_space<vmem_shared>>
      tpu.enqueue_dma source(%dma_start3A_57 : memref<640x16xf32, #tpu.memory_space<vmem_shared>>) target(%dma_start3A_55 : memref<640x16xf32, #tpu.memory_space<hbm>>) target_semaphore(%run_scoped3A : memref<!tpu.dma_semaphore, #tpu.memory_space<semaphore_mem>>)
      %dma_wait3A = arith.constant 0 : i32
      %dma_wait3A_58 = tpu.memref_slice %arg8[%arg0, %mul3A_14, %dma_wait3A] : memref<2x10240x16xf32, #tpu.memory_space<hbm>> -> memref<1x640x16xf32, #tpu.memory_space<hbm>>
      %dma_wait3A_59 = tpu.memref_squeeze %dma_wait3A_58 : memref<1x640x16xf32, #tpu.memory_space<hbm>> -> memref<640x16xf32, #tpu.memory_space<hbm>>
      %dma_wait3A_60 = arith.constant 0 : i32
      %dma_wait3A_61 = tpu.memref_slice %arg10[%mul3A_14, %dma_wait3A_60] : memref<10240x16xf32, #tpu.memory_space<vmem_shared>> -> memref<640x16xf32, #tpu.memory_space<vmem_shared>>
      tpu.wait_dma2 semaphore(%run_scoped3A : memref<!tpu.dma_semaphore, #tpu.memory_space<semaphore_mem>>) src(%dma_wait3A_61 : memref<640x16xf32, #tpu.memory_space<vmem_shared>>) dst(%dma_wait3A_59 : memref<640x16xf32, #tpu.memory_space<hbm>>)
      tpu.yield
    }) : () -> ()
    return
  }
}

module attributes {stable_mosaic.version = 14 : i64} {
  func.func @_tc1_body(%arg0: i32, %arg1: memref<2048x128xf32, #tpu.memory_space<vmem>>, %arg2: memref<128x128xf32, #tpu.memory_space<vmem>>, %arg3: memref<128x16xf32, #tpu.memory_space<vmem>>, %arg4: memref<2048x128xf32, #tpu.memory_space<vmem>>, %arg5: memref<2048x16xf32, #tpu.memory_space<vmem>>) attributes {dimension_semantics = [#tpu.dimension_semantics<arbitrary>], iteration_bounds = array<i64: 5>, scalar_prefetch = 0 : i64, scratch_operands = 0 : i64, tpu.core_type = #tpu.core_type<tc>, window_params = [{transform_indices = @transform_0, window_bounds = array<i64: 2048, 128>}, {pipeline_mode = #tpu.pipeline_mode<synchronous>, transform_indices = @transform_1, window_bounds = array<i64: 128, 128>}, {pipeline_mode = #tpu.pipeline_mode<synchronous>, transform_indices = @transform_2, window_bounds = array<i64: 128, 16>}, {transform_indices = @transform_3, window_bounds = array<i64: 2048, 128>}, {transform_indices = @transform_4, window_bounds = array<i64: 2048, 16>}]} {
    %get3A = arith.constant 0 : index
    %get3A_0 = arith.constant 0 : index
    %get3A_1 = vector.load %arg1[%get3A, %get3A_0] : memref<2048x128xf32, #tpu.memory_space<vmem>>, vector<2048x128xf32>
    %get3A_2 = arith.constant 0 : index
    %get3A_3 = arith.constant 0 : index
    %get3A_4 = vector.load %arg2[%get3A_2, %get3A_3] : memref<128x128xf32, #tpu.memory_space<vmem>>, vector<128x128xf32>
    %dot_general3A = arith.constant dense<0.000000e+00> : vector<2048x128xf32>
    %dot_general3A_5 = tpu.matmul %get3A_1, %get3A_4, %dot_general3A {dimension_numbers = #tpu.dot_dimension_numbers<[1], [0], [0], [1], [0, 0, 1, 1], [], []>, precision = #tpu.contract_precision<fp32>, transpose_lhs_hint = false} : vector<2048x128xf32>, vector<128x128xf32>, vector<2048x128xf32> -> vector<2048x128xf32>
    %swap3A = arith.constant 0 : index
    %swap3A_6 = arith.constant 0 : index
    %swap3A_7 = vector.load %arg4[%swap3A, %swap3A_6] : memref<2048x128xf32, #tpu.memory_space<vmem>>, vector<2048x128xf32>
    tpu.vector_store %arg4[%swap3A, %swap3A_6], %dot_general3A_5 {strides = array<i32>} : memref<2048x128xf32, #tpu.memory_space<vmem>>, vector<2048x128xf32>,
    %get3A_8 = arith.constant 0 : index
    %get3A_9 = arith.constant 0 : index
    %get3A_10 = vector.load %arg3[%get3A_8, %get3A_9] : memref<128x16xf32, #tpu.memory_space<vmem>>, vector<128x16xf32>
    %dot_general3A_11 = arith.constant dense<0.000000e+00> : vector<2048x16xf32>
    %dot_general3A_12 = tpu.matmul %dot_general3A_5, %get3A_10, %dot_general3A_11 {dimension_numbers = #tpu.dot_dimension_numbers<[1], [0], [0], [1], [0, 0, 1, 1], [], []>, precision = #tpu.contract_precision<fp32>, transpose_lhs_hint = false} : vector<2048x128xf32>, vector<128x16xf32>, vector<2048x16xf32> -> vector<2048x16xf32>
    %swap3A_13 = arith.constant 0 : index
    %swap3A_14 = arith.constant 0 : index
    %swap3A_15 = vector.load %arg5[%swap3A_13, %swap3A_14] : memref<2048x16xf32, #tpu.memory_space<vmem>>, vector<2048x16xf32>
    tpu.vector_store %arg5[%swap3A_13, %swap3A_14], %dot_general3A_12 {strides = array<i32>} : memref<2048x16xf32, #tpu.memory_space<vmem>>, vector<2048x16xf32>,
    return
  }
  func.func @transform_0(%arg0: i32) -> (i32, i32) {
    %c0_i32 = arith.constant 0 : i32
    %c0_i32_0 = arith.constant 0 : i32
    return %arg0, %c0_i32 : i32, i32
  }
  func.func @transform_1(%arg0: i32) -> (i32, i32) {
    %c0_i32 = arith.constant 0 : i32
    %c0_i32_0 = arith.constant 0 : i32
    %c0_i32_1 = arith.constant 0 : i32
    return %c0_i32, %c0_i32_0 : i32, i32
  }
  func.func @transform_2(%arg0: i32) -> (i32, i32) {
    %c0_i32 = arith.constant 0 : i32
    %c0_i32_0 = arith.constant 0 : i32
    %c0_i32_1 = arith.constant 0 : i32
    return %c0_i32, %c0_i32_0 : i32, i32
  }
  func.func @transform_3(%arg0: i32) -> (i32, i32) {
    %c0_i32 = arith.constant 0 : i32
    %c0_i32_0 = arith.constant 0 : i32
    return %arg0, %c0_i32 : i32, i32
  }
  func.func @transform_4(%arg0: i32) -> (i32, i32) {
    %c0_i32 = arith.constant 0 : i32
    %c0_i32_0 = arith.constant 0 : i32
    return %arg0, %c0_i32 : i32, i32
  }
}

module attributes {stable_mosaic.version = 14 : i64} {
  func.func @_tc2_body(%arg0: i32, %arg1: memref<2x2048x128xf32, #tpu.memory_space<vmem>>, %arg2: memref<2x2048x16xf32, #tpu.memory_space<vmem>>, %arg3: memref<1x128xf32, #tpu.memory_space<vmem>>, %arg4: memref<16x128xf32, #tpu.memory_space<vmem>>, %arg5: memref<128x16xf32, #tpu.memory_space<vmem>>, %arg6: memref<2048x16xf32, #tpu.memory_space<vmem>>) attributes {dimension_semantics = [#tpu.dimension_semantics<arbitrary>], iteration_bounds = array<i64: 5>, scalar_prefetch = 0 : i64, scratch_operands = 0 : i64, tpu.core_type = #tpu.core_type<tc>, window_params = [{transform_indices = @transform_0, window_bounds = array<i64: 2, 2048, 128>}, {transform_indices = @transform_1, window_bounds = array<i64: 2, 2048, 16>}, {pipeline_mode = #tpu.pipeline_mode<synchronous>, transform_indices = @transform_2, window_bounds = array<i64: 1, 128>}, {pipeline_mode = #tpu.pipeline_mode<synchronous>, transform_indices = @transform_3, window_bounds = array<i64: 16, 128>}, {pipeline_mode = #tpu.pipeline_mode<synchronous>, transform_indices = @transform_4, window_bounds = array<i64: 128, 16>}, {transform_indices = @transform_5, window_bounds = array<i64: 2048, 16>}]} {
    %get3A = arith.constant 0 : index
    %get3A_0 = arith.constant 0 : index
    %get3A_1 = arith.constant 0 : index
    %get3A_2 = vector.load %arg1[%get3A, %get3A_0, %get3A_1] : memref<2x2048x128xf32, #tpu.memory_space<vmem>>, vector<1x2048x128xf32>
    %get3A_3 = vector.shape_cast %get3A_2 : vector<1x2048x128xf32> to vector<2048x128xf32>
    %get3A_4 = arith.constant 1 : index
    %get3A_5 = arith.constant 0 : index
    %get3A_6 = arith.constant 0 : index
    %get3A_7 = vector.load %arg1[%get3A_4, %get3A_5, %get3A_6] : memref<2x2048x128xf32, #tpu.memory_space<vmem>>, vector<1x2048x128xf32>
    %get3A_8 = vector.shape_cast %get3A_7 : vector<1x2048x128xf32> to vector<2048x128xf32>
    %add3A = arith.addf %get3A_3, %get3A_8 : vector<2048x128xf32>
    %get3A_9 = arith.constant 0 : index
    %get3A_10 = arith.constant 0 : index
    %get3A_11 = arith.constant 0 : index
    %get3A_12 = vector.load %arg2[%get3A_9, %get3A_10, %get3A_11] : memref<2x2048x16xf32, #tpu.memory_space<vmem>>, vector<1x2048x16xf32>
    %get3A_13 = vector.shape_cast %get3A_12 : vector<1x2048x16xf32> to vector<2048x16xf32>
    %get3A_14 = arith.constant 1 : index
    %get3A_15 = arith.constant 0 : index
    %get3A_16 = arith.constant 0 : index
    %get3A_17 = vector.load %arg2[%get3A_14, %get3A_15, %get3A_16] : memref<2x2048x16xf32, #tpu.memory_space<vmem>>, vector<1x2048x16xf32>
    %get3A_18 = vector.shape_cast %get3A_17 : vector<1x2048x16xf32> to vector<2048x16xf32>
    %add3A_19 = arith.addf %get3A_13, %get3A_18 : vector<2048x16xf32>
    %get3A_20 = arith.constant 0 : index
    %get3A_21 = arith.constant 0 : index
    %get3A_22 = vector.load %arg4[%get3A_20, %get3A_21] : memref<16x128xf32, #tpu.memory_space<vmem>>, vector<16x128xf32>
    %dot_general3A = arith.constant dense<0.000000e+00> : vector<2048x128xf32>
    %dot_general3A_23 = tpu.matmul %add3A_19, %get3A_22, %dot_general3A {dimension_numbers = #tpu.dot_dimension_numbers<[1], [0], [0], [1], [0, 0, 1, 1], [], []>, precision = #tpu.contract_precision<fp32>, transpose_lhs_hint = false} : vector<2048x16xf32>, vector<16x128xf32>, vector<2048x128xf32> -> vector<2048x128xf32>
    %add3A_24 = arith.constant 1.000000e-16 : f32
    %add3A_25 = vector.broadcast %add3A_24 : f32 to vector<2048x128xf32>
    %add3A_26 = arith.addf %dot_general3A_23, %add3A_25 : vector<2048x128xf32>
    %div3A = arith.divf %add3A, %add3A_26 : vector<2048x128xf32>
    %get3A_27 = arith.constant 0 : index
    %get3A_28 = arith.constant 0 : index
    %get3A_29 = vector.load %arg3[%get3A_27, %get3A_28] : memref<1x128xf32, #tpu.memory_space<vmem>>, vector<1x128xf32>
    %add3A_30 = vector.broadcast %get3A_29 : vector<1x128xf32> to vector<2048x128xf32>
    %add3A_31 = arith.addf %div3A, %add3A_30 : vector<2048x128xf32>
    %gt3A = arith.constant 0.000000e+00 : f32
    %gt3A_32 = vector.broadcast %gt3A : f32 to vector<2048x128xf32>
    %gt3A_33 = arith.cmpf ogt, %add3A_31, %gt3A_32 : vector<2048x128xf32>
    %min3A = arith.constant 0.000000e+00 : f32
    %min3A_34 = vector.broadcast %min3A : f32 to vector<2048x128xf32>
    %min3A_35 = arith.minimumf %add3A_31, %min3A_34 : vector<2048x128xf32>
    %exp3A = math.exp %min3A_35 : vector<2048x128xf32>
    %sub3A = arith.constant 1.000000e+00 : f32
    %sub3A_36 = vector.broadcast %sub3A : f32 to vector<2048x128xf32>
    %sub3A_37 = arith.subf %exp3A, %sub3A_36 : vector<2048x128xf32>
    %select_n3A = arith.select %gt3A_33, %add3A_31, %sub3A_37 : vector<2048x128xi1>, vector<2048x128xf32>
    %get3A_38 = arith.constant 0 : index
    %get3A_39 = arith.constant 0 : index
    %get3A_40 = vector.load %arg5[%get3A_38, %get3A_39] : memref<128x16xf32, #tpu.memory_space<vmem>>, vector<128x16xf32>
    %dot_general3A_41 = arith.constant dense<0.000000e+00> : vector<2048x16xf32>
    %dot_general3A_42 = tpu.matmul %select_n3A, %get3A_40, %dot_general3A_41 {dimension_numbers = #tpu.dot_dimension_numbers<[1], [0], [0], [1], [0, 0, 1, 1], [], []>, precision = #tpu.contract_precision<fp32>, transpose_lhs_hint = false} : vector<2048x128xf32>, vector<128x16xf32>, vector<2048x16xf32> -> vector<2048x16xf32>
    %swap3A = arith.constant 0 : index
    %swap3A_43 = arith.constant 0 : index
    %swap3A_44 = vector.load %arg6[%swap3A, %swap3A_43] : memref<2048x16xf32, #tpu.memory_space<vmem>>, vector<2048x16xf32>
    tpu.vector_store %arg6[%swap3A, %swap3A_43], %dot_general3A_42 {strides = array<i32>} : memref<2048x16xf32, #tpu.memory_space<vmem>>, vector<2048x16xf32>,
    return
  }
  func.func @transform_0(%arg0: i32) -> (i32, i32, i32) {
    %c0_i32 = arith.constant 0 : i32
    %c0_i32_0 = arith.constant 0 : i32
    %c0_i32_1 = arith.constant 0 : i32
    return %c0_i32, %arg0, %c0_i32_0 : i32, i32, i32
  }
  func.func @transform_1(%arg0: i32) -> (i32, i32, i32) {
    %c0_i32 = arith.constant 0 : i32
    %c0_i32_0 = arith.constant 0 : i32
    %c0_i32_1 = arith.constant 0 : i32
    return %c0_i32, %arg0, %c0_i32_0 : i32, i32, i32
  }
  func.func @transform_2(%arg0: i32) -> (i32, i32) {
    %c0_i32 = arith.constant 0 : i32
    %c0_i32_0 = arith.constant 0 : i32
    %c0_i32_1 = arith.constant 0 : i32
    return %c0_i32, %c0_i32_0 : i32, i32
  }
  func.func @transform_3(%arg0: i32) -> (i32, i32) {
    %c0_i32 = arith.constant 0 : i32
    %c0_i32_0 = arith.constant 0 : i32
    %c0_i32_1 = arith.constant 0 : i32
    return %c0_i32, %c0_i32_0 : i32, i32
  }
  func.func @transform_4(%arg0: i32) -> (i32, i32) {
    %c0_i32 = arith.constant 0 : i32
    %c0_i32_0 = arith.constant 0 : i32
    %c0_i32_1 = arith.constant 0 : i32
    return %c0_i32, %c0_i32_0 : i32, i32
  }
  func.func @transform_5(%arg0: i32) -> (i32, i32) {
    %c0_i32 = arith.constant 0 : i32
    %c0_i32_0 = arith.constant 0 : i32
    return %arg0, %c0_i32 : i32, i32
  }
}

module attributes {stable_mosaic.version = 14 : i64} {
  func.func @_tc3_body(%arg0: i32, %arg1: memref<2x2048x16xf32, #tpu.memory_space<vmem>>, %arg2: memref<1x16xf32, #tpu.memory_space<vmem>>, %arg3: memref<2048x16xf32, #tpu.memory_space<vmem>>) attributes {dimension_semantics = [#tpu.dimension_semantics<arbitrary>], iteration_bounds = array<i64: 5>, scalar_prefetch = 0 : i64, scratch_operands = 0 : i64, tpu.core_type = #tpu.core_type<tc>, window_params = [{transform_indices = @transform_0, window_bounds = array<i64: 2, 2048, 16>}, {pipeline_mode = #tpu.pipeline_mode<synchronous>, transform_indices = @transform_1, window_bounds = array<i64: 1, 16>}, {transform_indices = @transform_2, window_bounds = array<i64: 2048, 16>}]} {
    %get3A = arith.constant 0 : index
    %get3A_0 = arith.constant 0 : index
    %get3A_1 = arith.constant 0 : index
    %get3A_2 = vector.load %arg1[%get3A, %get3A_0, %get3A_1] : memref<2x2048x16xf32, #tpu.memory_space<vmem>>, vector<1x2048x16xf32>
    %get3A_3 = vector.shape_cast %get3A_2 : vector<1x2048x16xf32> to vector<2048x16xf32>
    %get3A_4 = arith.constant 1 : index
    %get3A_5 = arith.constant 0 : index
    %get3A_6 = arith.constant 0 : index
    %get3A_7 = vector.load %arg1[%get3A_4, %get3A_5, %get3A_6] : memref<2x2048x16xf32, #tpu.memory_space<vmem>>, vector<1x2048x16xf32>
    %get3A_8 = vector.shape_cast %get3A_7 : vector<1x2048x16xf32> to vector<2048x16xf32>
    %add3A = arith.addf %get3A_3, %get3A_8 : vector<2048x16xf32>
    %slice3A = vector.extract_strided_slice %add3A {offsets = [0, 1], sizes = [2048, 1], strides = [1, 1]} : vector<2048x16xf32> to vector<2048x1xf32>
    %slice3A_9 = vector.extract_strided_slice %add3A {offsets = [0, 0], sizes = [2048, 1], strides = [1, 1]} : vector<2048x16xf32> to vector<2048x1xf32>
    %add3A_10 = arith.constant 1.000000e-16 : f32
    %add3A_11 = vector.broadcast %add3A_10 : f32 to vector<2048x1xf32>
    %add3A_12 = arith.addf %slice3A_9, %add3A_11 : vector<2048x1xf32>
    %div3A = arith.divf %slice3A, %add3A_12 : vector<2048x1xf32>
    %get3A_13 = arith.constant 0 : index
    %get3A_14 = arith.constant 0 : index
    %get3A_15 = vector.load %arg2[%get3A_13, %get3A_14] : memref<1x16xf32, #tpu.memory_space<vmem>>, vector<1x1xf32>
    %get3A_16 = vector.extract %get3A_15[0, 0] : f32 from vector<1x1xf32>
    %add3A_17 = vector.broadcast %get3A_16 : f32 to vector<2048x1xf32>
    %add3A_18 = arith.addf %div3A, %add3A_17 : vector<2048x1xf32>
    %neg3A = arith.constant 0.000000e+00 : f32
    %neg3A_19 = vector.broadcast %neg3A : f32 to vector<2048x1xf32>
    %neg3A_20 = arith.subf %neg3A_19, %add3A_18 : vector<2048x1xf32>
    %exp3A = math.exp %neg3A_20 : vector<2048x1xf32>
    %add3A_21 = arith.constant 1.000000e+00 : f32
    %add3A_22 = vector.broadcast %add3A_21 : f32 to vector<2048x1xf32>
    %add3A_23 = arith.addf %add3A_22, %exp3A : vector<2048x1xf32>
    %div3A_24 = arith.constant 1.000000e+00 : f32
    %div3A_25 = vector.broadcast %div3A_24 : f32 to vector<2048x1xf32>
    %div3A_26 = arith.divf %div3A_25, %add3A_23 : vector<2048x1xf32>
    %broadcast_in_dim3A = vector.shape_cast %div3A_26 : vector<2048x1xf32> to vector<2048x1xf32>
    %broadcast_in_dim3A_27 = vector.broadcast %broadcast_in_dim3A : vector<2048x1xf32> to vector<2048x16xf32>
    %swap3A = arith.constant 0 : index
    %swap3A_28 = arith.constant 0 : index
    %swap3A_29 = vector.load %arg3[%swap3A, %swap3A_28] : memref<2048x16xf32, #tpu.memory_space<vmem>>, vector<2048x16xf32>
    tpu.vector_store %arg3[%swap3A, %swap3A_28], %broadcast_in_dim3A_27 {strides = array<i32>} : memref<2048x16xf32, #tpu.memory_space<vmem>>, vector<2048x16xf32>,
    return
  }
  func.func @transform_0(%arg0: i32) -> (i32, i32, i32) {
    %c0_i32 = arith.constant 0 : i32
    %c0_i32_0 = arith.constant 0 : i32
    %c0_i32_1 = arith.constant 0 : i32
    return %c0_i32, %arg0, %c0_i32_0 : i32, i32, i32
  }
  func.func @transform_1(%arg0: i32) -> (i32, i32) {
    %c0_i32 = arith.constant 0 : i32
    %c0_i32_0 = arith.constant 0 : i32
    %c0_i32_1 = arith.constant 0 : i32
    return %c0_i32, %c0_i32_0 : i32, i32
  }
  func.func @transform_2(%arg0: i32) -> (i32, i32) {
    %c0_i32 = arith.constant 0 : i32
    %c0_i32_0 = arith.constant 0 : i32
    return %arg0, %c0_i32 : i32, i32
  }
}

</mosaic_0001>

<sc_bundles>
// kernel: kernel.10.cloned.1.call-start
scs
__scs_entry_jumppad:
0x0: {  	(pc) =	sbr.rel $0x88, $3  }
0x1: {  	(tag) =	ssettag $0x0;
	lr =	simm.s32 $0x1  }
0x2: {  	[smem:$0x3F97] =	sst lr;
	_ =	strace $0xD0000000  }
0x3: {  	_ = 	snop  }
0x4: {  	_ = 	snop  }
0x5: {  	_ = 	snop  }
0x6: {  	_ = 	snop  }
0x7: {  	_ = 	snop  }
__scs_overlays_trampoline_lowered:
0x8: {  	[smem:$0x3FA6] =	sst s0  }
0x9: {  	[smem:$0x3FA7] =	sst s1  }
0xa: {  	[smem:$0x3FA8] =	sst s2  }
0xb: {  	[smem:$0x3FA9] =	sst s3  }
0xc: {  	[smem:$0x3FAA] =	sst s4  }
0xd: {  	[smem:$0x3FAB] =	sst s5  }
0xe: {  	[smem:$0x3FAC] =	sst s6  }
0xf: {  	[smem:$0x3FAD] =	sst s7  }
0x10: {  	[smem:$0x3FAE] =	sst s8  }
0x11: {  	[smem:$0x3FAF] =	sst s9;
	s0 =	simm.s32 @!p0 $0x0  }
0x12: {  	s1 =	sld [smem:$0x3F95];
	s0 =	simm.s32 @p0 $0x1  }
0x13: {  	[smem:$0x3FB0] =	sst s0;
	s0 =	simm.s32 @!p1 $0x0  }
0x14: {  	s2 =	sld [smem:$0x3F94];
	s0 =	simm.s32 @p1 $0x1  }
0x15: {  	[smem:$0x3FB1] =	sst s0;
	s0 =	simm.s32 @!p2 $0x0  }
0x16: {  	s3 =	sld [smem:$0x3FDB];
	s0 =	simm.s32 @p2 $0x1  }
0x17: {  	s4 =	simm.s32 $0x1BF5;
	[smem:$0x3FB3] =	sst s0  }
0x18: {  	s0 =	sld [smem:$0x3F96];
	_ =	swait.ge [sflag:s4], $0x0  }
0x19: {  	s7 =	sld [smem:$0x3F97]  }
0x1a: {  	s8 =	sadd.s32 $0xFFFFE003, lr  }
0x1b: {  	s9 =	sadd.s32 $0xFFFFFEF7, lr;
	s5 =	simm.s32 $0xFFFFFFFF;
	p2 =	slt.u32 s8, $0xFFFFF086  }
0x1c: {  	p1 =	slt.u32 s9, $0xF7A;
	s5 =	simm.s32 @!p2 $0x0  }
0x1d: {  	s5 =	simm.s32 @p1 $0x1;
	p0 =	seq.s32 s7, s2  }
0x1e: {  	s7 =	smul.u32 @!p0 $0xF7A, s2;
	p2 =	seq.s32 @!p0 s5, $0x0  }
0x1f: {  	s9 =	smul.u32 $0xF7A, s1;
	s8 =	simm.s32 @!p0 $0x1BF5;
	p2 =	por !p2, p0  }
0x20: {  	[sflag:s8] =	ssyncset.s32 @!p0 $0xFFFFF086;
	s6 =	sadd.s32 @!p0 s3, s7;
	s7 =	simm.s32 @!p0 $0x108  }
0x21: {  	s3 =	sadd.s32 s3, s9;
	s6 =	sadd.s32 @!p0 $0x88, s6;
	s7 =	simm.s32 @p2 $0x1082  }
0x22: {  	[simem:s7], [sflag:s8] =	dma.local @!p0 [hbm:s6], $0xF7A  }
0x23: {  	s9 =	sor.u32 $0xD0000000, s2;
	s6 =	simm.s32 $0x108;
	_ =	swait.ge @!p0 [sflag:s8], $0x0  }
0x24: {  	s3 =	sadd.s32 $0x88, s3;
	s6 =	simm.s32 @!p1 $0x1082;
	[sflag:s4] =	ssyncset.s32 $0xFFFFF086  }
0x25: {  	[simem:s6], [sflag:s4] =	dma.local [hbm:s3], $0xF7A  }
0x26: {  	[smem:$0x3F97] =	sst s1;
	(tag) =	ssettag s2;
	_ =	strace s9  }
0x27: {  	s1 =	sld [smem:$0x3FA7]  }
0x28: {  	s2 =	sld [smem:$0x3FA8]  }
0x29: {  	s4 =	sld [smem:$0x3FAA]  }
0x2a: {  	p0 =	seq.s32 s5, $0x0;
	s5 =	sld [smem:$0x3FAB]  }
0x2b: {  	s6 =	sld [smem:$0x3FAC]  }
0x2c: {  	s7 =	sld [smem:$0x3FAD]  }
0x2d: {  	s3 =	simm.s32 $0x108;
	s8 =	sld [smem:$0x3FAE]  }
0x2e: {  	s3 =	simm.s32 @!p0 $0x1082;
	s9 =	sld [smem:$0x3FAF]  }
0x2f: {  	lr =	sadd.s32 s0, s3;
	s0 =	sld [smem:$0x3FA6]  }
0x30: {  	s3 =	sld [smem:$0x3FA9]  }
0x31: {  	[smem:$0x3FB2] =	sst s10  }
0x32: {  	s10 =	sld [smem:$0x3FB0];
	_ =	sdelay $0x3  }
0x33: {  	p0 =	seq.s32 s10, $0x1;
	s10 =	sld [smem:$0x3FB2];
	_ =	sdelay $0x3  }
0x34: {  	[smem:$0x3FB2] =	sst s10  }
0x35: {  	s10 =	sld [smem:$0x3FB1];
	_ =	sdelay $0x3  }
0x36: {  	p1 =	seq.s32 s10, $0x1;
	s10 =	sld [smem:$0x3FB2];
	_ =	sdelay $0x3  }
0x37: {  	[smem:$0x3FB2] =	sst s10  }
0x38: {  	s10 =	sld [smem:$0x3FB3]  }
0x39: {  	_ = 	snop;
	(pc) =	sbr.ind lr, $3  }
0x3a: {  	_ = 	snop  }
0x3b: {  	_ = 	snop  }
0x3c: {  	p2 =	seq.s32 s10, $0x1;
	s10 =	sld [smem:$0x3FB2]  }
0x3d: {  	_ =	shalt  }
0x3e: {  	_ =	shalt  }
0x3f: {  	_ =	shalt  }
0x40: {  	_ =	shalt  }
0x41: {  	_ =	shalt  }
0x42: {  	_ =	shalt  }
0x43: {  	_ =	shalt  }
0x44: {  	_ =	shalt  }
0x45: {  	_ =	shalt  }
0x46: {  	_ =	shalt  }
0x47: {  	_ =	shalt  }
0x48: {  	_ =	shalt  }
0x49: {  	_ =	shalt  }
0x4a: {  	_ =	shalt  }
0x4b: {  	_ =	shalt  }
0x4c: {  	_ =	shalt  }
0x4d: {  	_ =	shalt  }
0x4e: {  	_ =	shalt  }
0x4f: {  	_ =	shalt  }
0x50: {  	_ =	shalt  }
0x51: {  	_ =	shalt  }
0x52: {  	_ =	shalt  }
0x53: {  	_ =	shalt  }
0x54: {  	_ =	shalt  }
0x55: {  	_ =	shalt  }
0x56: {  	_ =	shalt  }
0x57: {  	_ =	shalt  }
0x58: {  	_ =	shalt  }
0x59: {  	_ =	shalt  }
0x5a: {  	_ =	shalt  }
0x5b: {  	_ =	shalt  }
0x5c: {  	_ =	shalt  }
0x5d: {  	_ =	shalt  }
0x5e: {  	_ =	shalt  }
0x5f: {  	_ =	shalt  }
0x60: {  	_ =	shalt  }
0x61: {  	_ =	shalt  }
0x62: {  	_ =	shalt  }
0x63: {  	_ =	shalt  }
0x64: {  	_ =	shalt  }
0x65: {  	_ =	shalt  }
0x66: {  	_ =	shalt  }
0x67: {  	_ =	shalt  }
0x68: {  	_ =	shalt  }
0x69: {  	_ =	shalt  }
0x6a: {  	_ =	shalt  }
0x6b: {  	_ =	shalt  }
0x6c: {  	_ =	shalt  }
0x6d: {  	_ =	shalt  }
0x6e: {  	_ =	shalt  }
0x6f: {  	_ =	shalt  }
0x70: {  	_ =	shalt  }
0x71: {  	_ =	shalt  }
0x72: {  	_ =	shalt  }
0x73: {  	_ =	shalt  }
0x74: {  	_ =	shalt  }
0x75: {  	_ =	shalt  }
0x76: {  	_ =	shalt  }
0x77: {  	_ =	shalt  }
0x78: {  	_ =	shalt  }
0x79: {  	_ =	shalt  }
0x7a: {  	_ =	shalt  }
0x7b: {  	_ =	shalt  }
0x7c: {  	_ =	shalt  }
0x7d: {  	_ =	shalt  }
0x7e: {  	_ =	shalt  }
0x7f: {  	_ =	shalt  }
0x80: {  	_ =	shalt  }
0x81: {  	_ =	shalt  }
0x82: {  	_ =	shalt  }
0x83: {  	_ =	shalt  }
0x84: {  	_ =	shalt  }
0x85: {  	_ =	shalt  }
0x86: {  	_ =	shalt  }
0x87: {  	_ =	shalt  }
.Lfunc_end0:
.L_simem_size_0:
called_computation.1_lowered:
.L_overlay_start_0:
0x88: {  	s2 =	sld [smem:$0x3FD9]  }
0x89: {  	s3 =	sld [smem:$0x3FFE];
	_ =	sdelay $0x1  }
0x8a: {  	s1 =	srdreg.scid  }
0x8b: {  	s0 =	sand.u32 $0x1, s1  }
0x8c: {  	s16 =	sshll.u32 s0, $0xA;
	s2 =	sadd.s32 s3, s2  }
0x8d: {  	s2 =	sadd.s32 s2, s16  }
0x8e: {  	[smem:$0x3FBE] =	sst s2  }
0x8f: {  	_ = 	snop  }
0x90: {  	(tm) =	ssettm $0x1  }
0x91: {  	s17 =	sld [smem:$0x3FFB];
	_ =	sdelay $0x3  }
0x92: {  	_ =	strace s17  }
0x93: {  	s2 =	sld [smem:$0x3FFC];
	_ =	sdelay $0x3  }
0x94: {  	_ =	strace s2  }
0x95: {  	s2 =	sld [smem:$0x3FFD];
	_ =	sdelay $0x3  }
0x96: {  	_ =	strace s2  }
0x97: {  	_ =	strace $0x8FFFFFFF  }
0x98: {  	s18 =	sld [smem:$0x3FDB];
	_ =	sdelay $0x1  }
0x99: {  	s19 =	simm.s32 $_scs_section_size  }
0x9a: {  	s4 =	simm.s32 $_size__tile_overlayer_lowered;
	s5 =	simm.s32 $_tile_overlayer_lowered  }
0x9b: {  	s22 =	simm.s32 $0x1BFF;
	s21 =	sshll.u32 s5, $0x1;
	s2 =	sadd.s32 s19, s18  }
0x9c: {  	s6 =	simm.s32 $0x0;
	s20 =	sshll.u32 s4, $0x1;
	s4 =	sadd.s32 s21, s2  }
0x9d: {  	[timem:s6], [sflag:s22] =	dma.local [hbm:s4], s20  }
0x9e: {  	_ =	swait.ge [sflag:s22], s20  }
0x9f: {  	s3 =	ssub.s32 $0x0, s20;
	[sflag:s22] =	ssyncset.done $0x0  }
0xa0: {  	[sflag:s22] =	ssyncadd.s32 s3;
	_ =	sdelay $0x1  }
0xa1: {  	s23 =	simm.s32 $0x1B8B  }
0xa2: {  	_ =	swait.ge [sflag:s23], $0x1  }
0xa3: {  	[sflag:s23] =	ssyncset.done $0x0  }
0xa4: {  	s25 =	simm.s32 $0x1B8E;
	s24 =	sld [smem:$0x3FFE];
	[sflag:s23] =	ssyncadd.s32 $0xFFFFFFFF  }
0xa5: {  	s26 =	simm.s32 $execute0_lowered;
	[smem:$0x3FD2] =	sst s25  }
0xa6: {  	s4 =	sshll.u32 s26, $0x1;
	_ =	strace $0x80000049;
	[dreg:$0x1] =	wrdreg $0xFFFFFFFF  }
0xa7: {  	s28 =	simm.s32 $_size_execute0_lowered;
	s2 =	sadd.s32 s2, s4;
	[dreg:$0x0] =	wrdreg $0x0  }
0xa8: {  	s4 =	sshll.u32 s28, $0x1;
	[dreg:$0x2] =	wrdreg s2  }
0xa9: {  	[dreg:$0x3] =	wrdreg s4  }
0xaa: {  	[dreg:$0x4] =	wrdreg $0xC0  }
0xab: {  	_ =	task [dreg:s6], $0x5FFFF  }
0xac: {  	[dreg:$0x1] =	wrdreg $0xFFFFFFFF  }
0xad: {  	[dreg:$0x0] =	wrdreg $0x60  }
0xae: {  	[dreg:$0x2] =	wrdreg s24  }
0xaf: {  	[dreg:$0x3] =	wrdreg $0x0  }
0xb0: {  	[dreg:$0x4] =	wrdreg $0x28000  }
0xb1: {  	[dreg:$0x5] =	wrdreg $0x9  }
0xb2: {  	_ =	task.clear_ibuf [dreg:s6], $0x6FFFF;
	_ =	strace $0x90000049  }
0xb3: {  	s29 =	simm.s32 $0x9;
	_ =	strace $0x8000004B  }
0xb4: {  	_ =	swait.ge [sflag:s29], $0x1  }
0xb5: {  	[sflag:s29] =	ssyncadd.s32 $0xFFFFFFFF  }
0xb6: {  	_ =	strace $0x9000004B  }
0xb7: {  	_ =	sfence  }
0xb8: {  	s30 =	sld [smem:$0x0];
	_ =	sdelay $0x2  }
0xb9: {  	s31 =	sshll.u32 s1, $0xD;
	s1 =	sshrl.u32 s1, $0x2  }
0xba: {  	s3 =	sand.u32 $0x4000, s31;
	s1 =	sadd.s32 s1, s30  }
0xbb: {  	s0 =	sor.u32 s3, s0;
	s1 =	sshll.u32 s1, $0x11  }
0xbc: {  	s0 =	sor.u32 s1, s0  }
0xbd: {  	s0 =	sadd.s32 $0x8F2B, s0  }
0xbe: {  	[sflag:s0] =	ssyncadd.remote.s32 $0x1  }
0xbf: {  	_ =	sfence.sel $0xFFFF  }
0xc0: {  	[dreg:$0x0] =	wrdreg $0xFFFFFFFF;
	(pc) =	sbr.abs _section_cstart, $3  }
0xc1: {  	[dreg:$0x1] =	wrdreg $0xFFFFFFFF  }
0xc2: {  	_ =	task.clear_ibuf [dreg:s6], $0x2FFFF;
	_ =	strace $0x9FFFFFFF  }
0xc3: {  	(tm) =	ssettm $0x7FFFFFFF  }
tec
execute0_lowered:
.L_overlay_start_1:
0x0: {  	(tag) =	ssettag $0x1  }
0x1: {  	s9 =	rddreg [dreg:$0x0]  }
0x2: {  	s3 =	rddreg [dreg:$0x1];
	s18 =	stileid.u32  }
0x3: {  	s0 =	srdreg.scid;
	s4 =	rddreg [dreg:$0x2];
	s5 =	simm.s32 $0x0  }
0x4: {  	s17 =	simm.s32 $0x6100;
	s22 =	simm.s32 $0x5000;
	s23 =	simm.s32 $0x5080  }
0x5: {  	s24 =	simm.s32 $0x80;
	s25 =	simm.s32 $0x5100;
	s26 =	simm.s32 $0x5900  }
0x6: {  	s28 =	simm.s32 $0x0;
	s1 =	smul.u32 $0x2800, s18;
	s0 =	sand.u32 $0x1, s0  }
0x7: {  	[smem:$0x7FF] =	sst s5;
	s8 =	smul.u32 $0xA000, s18;
	s7 =	sadd.s32 $0x2D000, s9  }
0x8: {  	s31 =	sshll.u32 s18, $0x6;
	s2 =	smul.u32 $0x28000, s0;
	_ =	strace $0x8000004A  }
0x9: {  	s29 =	ssub.s32 $0x2, s0;
	s0 =	sshll.u32 s0, $0x4;
	s19 =	sor.u32 $0x1C01, s31  }
0xa: {  	s6 =	sshrl.u32 s1, $0x3;
	s10 =	sshrl.u32 s29, $0x1;
	s8 =	sshrl.u32 s8, $0x2  }
0xb: {  	s0 =	sor.u32 s18, s0;
	s18 =	simm.s32 $0x1;
	s13 =	sadd.s32 s6, s9  }
0xc: {  	s2 =	sadd.s32 s1, s2;
	s6 =	sadd.s32 $0x37200, s9;
	s16 =	ssub.s32 s29, s10  }
0xd: {  	s12 =	sadd.s32 s8, s3;
	s8 =	sadd.s32 s1, s3;
	s1 =	sadd.s32 s1, s4  }
0xe: {  	s14 =	smul.u32 $0x2880, s0;
	s2 =	sshrl.u32 s2, $0x3;
	s30 =	sadd.s32 $0x800, s12  }
0xf: {  	v0 =	vimm.f32 $0.0e+00;
	s10 =	sadd.s32 $0x1000, s12;
	s11 =	sadd.s32 $0x1800, s12;
	s12 =	sadd.s32 $0x2000, s12  }
0x10: {  	v1 =	vimm.s32 $0x1;
	v2 =	vimm.s32 $0x0;
	vm0 =	vcmask $0x300;
	s13 =	sadd.s32 $0x200, s13;
	s16 =	smax.u32 s16, $0x1;
	s2 =	sadd.s32 s2, s9  }
0x11: {  	v3 =	vimm.s32 $0x2;
	v4 =	vsel vm0, $0x3F800000, v0;
	vm0 =	vcmask $0x308;
	s20 =	sshrl.u32 s1, $0x3;
	[dreg:$0x4] =	wrdreg s30;
	s15 =	sadd.s32 $0x5200, s2  }
.LBB2_1:
0x12: {  	s0 =	simm.s32 $0x40;
	s1 =	simm.s32 $0x0  }
.LBB2_2:
0x13: {  	p0 =	sne.s32 s0, $0x1FC0;
	[tilespmem:s1+$0x6100] =	vst v0;
	s1 =	smov.u32 s0;
	s0 =	sadd.s32 $0x40, s0  }
.Ltmp0:
0x14: {  	(pc) =	sbr.rel @p0 .LBB2_2-.Ltmp0, $2  }
0x15: {  	_ =	sdelay $0x2  }
0x16: {  	s1 =	sshra.s32 s1, $0x2  }
0x17: {  	[tilespmem:s1+$0x6100] =	vst v0  }
0x18: {  	[spmem:s8] =	stream.linear.scatter [tilespmem:s17], [sflag:$0x1], $0x800, $0x38;
	[tilespmem:$0x6910] =	vst v63  }
0x19: {  	_ =	swait.ge [sflag:s18], $0x800  }
0x1a: {  	[sflag:s18] =	ssyncset.done $0x0  }
0x1b: {  	s0 =	rddreg [dreg:$0x4];
	[sflag:s18] =	ssyncadd.s32 $0xFFFFF800  }
0x1c: {  	[spmem:s0] =	stream.linear.scatter [tilespmem:s17], [sflag:$0x1], $0x800, $0x38;
	[tilespmem:$0x6910] =	vst v63  }
0x1d: {  	_ =	swait.ge [sflag:s18], $0x800  }
0x1e: {  	[sflag:s18] =	ssyncset.done $0x0  }
0x1f: {  	[sflag:s18] =	ssyncadd.s32 $0xFFFFF800  }
0x20: {  	[spmem:s10] =	stream.linear.scatter [tilespmem:s17], [sflag:$0x1], $0x800, $0x38;
	[tilespmem:$0x6910] =	vst v63  }
0x21: {  	_ =	swait.ge [sflag:s18], $0x800  }
0x22: {  	[sflag:s18] =	ssyncset.done $0x0  }
0x23: {  	[sflag:s18] =	ssyncadd.s32 $0xFFFFF800  }
0x24: {  	[spmem:s11] =	stream.linear.scatter [tilespmem:s17], [sflag:$0x1], $0x800, $0x38;
	[tilespmem:$0x6910] =	vst v63  }
0x25: {  	_ =	swait.ge [sflag:s18], $0x800  }
0x26: {  	[sflag:s18] =	ssyncset.done $0x0  }
0x27: {  	[sflag:s18] =	ssyncadd.s32 $0xFFFFF800  }
0x28: {  	[spmem:s12] =	stream.linear.scatter [tilespmem:s17], [sflag:$0x1], $0x800, $0x38;
	[tilespmem:$0x6910] =	vst v63  }
0x29: {  	_ =	swait.ge [sflag:s18], $0x800  }
0x2a: {  	[sflag:s18] =	ssyncset.done $0x0  }
0x2b: {  	[sflag:s18] =	ssyncadd.s32 $0xFFFFF800  }
0x2c: {  	[spmem:s20], [sflag:s19] =	dma.local [hbm:s13], $0x500  }
0x2d: {  	_ =	swait.ge [sflag:s18], $0x500  }
0x2e: {  	[sflag:s18] =	ssyncset.done $0x0  }
0x2f: {  	[sflag:s18] =	ssyncadd.s32 $0xFFFFFB00  }
0x30: {  	s31 =	simm.s32 $0x6900;
	s30 =	rddreg [dreg:$0x0]  }
0x31: {  	[tilespmem:s31], [sflag:$0x1] =	stream.linear.gather [hbm4b:s30+s28], $0x10, $0x38;
	[tilespmem:$0x6910] =	vst v63  }
0x32: {  	_ =	swait.ge [sflag:s18], $0x10  }
0x33: {  	[sflag:s18] =	ssyncset.done $0x0  }
0x34: {  	[sflag:s18] =	ssyncadd.s32 $0xFFFFFFF0  }
0x35: {  	[bflag:$0x0] =	sbarrier.arrive $0xFFFF  }
0x36: {  	v5 =	vld [tilespmem:$0x6900];
	_ =	sdelay $0x2  }
0x37: {  	s29 =	simm.s32 $0x0  }
.LBB2_4:
0x38: {  	s0 =	sshll.u32 s29, $0x7  }
0x39: {  	s0 =	sadd.s32 s14, s0  }
0x3a: {  	s0 =	sshrl.u32 s0, $0x3  }
0x3b: {  	s1 =	sadd.s32 s6, s0  }
0x3c: {  	[tilespmem:s22], [sflag:$0x1] =	stream.linear.gather [hbm4b:s1+s28], $0x80, $0x38;
	[tilespmem:$0x6910] =	vst v63  }
0x3d: {  	_ =	swait.ge [sflag:s18], $0x80  }
0x3e: {  	[sflag:s18] =	ssyncset.done $0x0  }
0x3f: {  	s0 =	sadd.s32 s7, s0;
	[sflag:s18] =	ssyncadd.s32 $0xFFFFFF80  }
0x40: {  	[tilespmem:s23], [sflag:$0x1] =	stream.linear.gather [hbm4b:s0+s28], $0x80, $0x38;
	[tilespmem:$0x6910] =	vst v63  }
0x41: {  	_ =	swait.ge [sflag:s18], $0x80  }
0x42: {  	[sflag:s18] =	ssyncset.done $0x0  }
0x43: {  	[sflag:s18] =	ssyncadd.s32 $0xFFFFFF80  }
0x44: {  	[tilespmem:s25], [sflag:$0x1] =	stream.indirect.gather [spmem:s4], $0x10, s22, s24, $0xb8;
	[tilespmem:$0x6910] =	vst v63  }
0x45: {  	_ =	swait.ge [sflag:s18], $0x800  }
0x46: {  	[sflag:s18] =	ssyncset.done $0x0  }
0x47: {  	[sflag:s18] =	ssyncadd.s32 $0xFFFFF800  }
0x48: {  	[tilespmem:s26], [sflag:$0x1] =	stream.indirect.gather [spmem:s4], $0x10, s23, s24, $0xb8;
	[tilespmem:$0x6910] =	vst v63  }
0x49: {  	_ =	swait.ge [sflag:s18], $0x800  }
0x4a: {  	[sflag:s18] =	ssyncset.done $0x0  }
0x4b: {  	s30 =	simm.s32 $0x0;
	[sflag:s18] =	ssyncadd.s32 $0xFFFFF800  }
0x4c: {  	v6 =	vld [tilespmem:s30+$0x5900];
	_ =	sdelay $0x1  }
0x4d: {  	v9 =	vld [tilespmem:s30+$0x5100];
	_ =	sdelay $0x2  }
0x4e: {  	v6 =	vperm.xlane v6, v1;
	_ =	sdelay $0x1  }
0x4f: {  	v6 =	vadd.f32 v6, v9;
	_ =	sdelay $0x1  }
0x50: {  	s31 =	simm.s32 $0x10;
	v7 =	vmul.f32 $2.000000030e-01, v6  }
0x51: {  	v8 =	vld [tilespmem:s31+$0x5900]  }
0x52: {  	v6 =	vmax.f32 v6, v7  }
0x53: {  	s2 =	simm.s32 $0x20;
	v11 =	vsub.f32 v6, v5;
	v6 =	vld [tilespmem:s31+$0x5100]  }
0x54: {  	v10 =	vld [tilespmem:s2+$0x5900];
	_ =	sdelay $0x1  }
0x55: {  	v8 =	vperm.xlane v8, v1;
	v7 =	vld [tilespmem:s2+$0x5100];
	v11 =	vmul.f32 $1.442695020e+00, v11  }
0x56: {  	s0 =	simm.s32 $0x30  }
0x57: {  	v12 =	vld [tilespmem:s0+$0x5900];
	(erf) = vpow2.f32 v11;
	v11 =	vadd.f32 v8, v6  }
0x58: {  	v10 =	vperm.xlane v10, v1  }
0x59: {  	v13 =	vmul.f32 $2.000000030e-01, v11  }
0x5a: {  	v10 =	vadd.f32 v10, v7  }
0x5b: {  	v8 =	vld [tilespmem:s0+$0x5100];
	v11 =	vmax.f32 v11, v13  }
0x5c: {  	v12 =	vperm.xlane v12, v1;
	v14 =	vmul.f32 $2.000000030e-01, v10;
	v11 =	vsub.f32 v11, v5;
	_ =	sdelay $0x1  }
0x5d: {  	v10 =	vmax.f32 v10, v14;
	v11 =	vmul.f32 $1.442695020e+00, v11  }
0x5e: {  	v13 =	vsub.f32 v10, v5  }
0x5f: {  	v10 =	vadd.f32 v12, v8;
	v12 =	vpop (erf);
	(erf) = vpow2.f32 v11  }
0x60: {  	s1 =	simm.s32 $0x40;
	v14 =	vmul.f32 $1.442695020e+00, v13  }
0x61: {  	v9 =	vperm.xlane v9, v3;
	v11 =	vld [tilespmem:s1+$0x5900]  }
0x62: {  	(erf) = vpow2.f32 v14  }
0x63: {  	v15 =	vsel vm0, v4, v9;
	v9 =	vld [tilespmem:s1+$0x5100];
	v12 =	vperm.xlane v12, v2  }
0x64: {  	v13 =	vmul.f32 $2.000000030e-01, v10  }
0x65: {  	s21 =	simm.s32 $0x140;
	v12 =	vmul.f32 v15, v12  }
.LBB2_5:
0x66: {  	s9 =	sshra.s32 s21, $0x2;
	p0 =	sne.s32 s21, $0x1FC0;
	s21 =	sadd.s32 $0x40, s21;
	v15 =	vperm.xlane v11, v1;
	v10 =	vmax.f32 v10, v13  }
.Ltmp1:
0x67: {  	v11 =	vld [tilespmem:s9+$0x5900];
	v13 =	vsub.f32 v10, v5;
	[tilespmem:s30+$0x6100] =	vst v12;
	s30 =	smov.u32 s31;
	s31 =	smov.u32 s2;
	(pc) =	sbr.rel @p0 .LBB2_5-.Ltmp1, $4  }
0x68: {  	v12 =	vperm.xlane v6, v3;
	v6 =	vmov v7;
	s2 =	smov.u32 s0;
	s0 =	smov.u32 s1;
	s1 =	smov.u32 s9;
	v10 =	vadd.f32 v15, v9;
	v14 =	vpop (erf)  }
0x69: {  	v7 =	vmovc v8;
	v8 =	vmov v9;
	v15 =	vmul.f32 $1.442695020e+00, v13;
	v14 =	vperm.xlane v14, v2;
	v9 =	vld [tilespmem:s1+$0x5100]  }
0x6a: {  	v12 =	vsel vm0, v4, v12;
	v13 =	vmul.f32 $2.000000030e-01, v10  }
0x6b: {  	(erf) = vpow2.f32 v15;
	v12 =	vmul.f32 v12, v14  }
0x6c: {  	v11 =	vperm.xlane v11, v1;
	_ =	sdelay $0x1  }
0x6d: {  	v11 =	vadd.f32 v11, v9;
	_ =	sdelay $0x1  }
0x6e: {  	v14 =	vmul.f32 $2.000000030e-01, v11  }
0x6f: {  	v10 =	vmax.f32 v10, v13  }
0x70: {  	v10 =	vsub.f32 v10, v5;
	v11 =	vmax.f32 v11, v14  }
0x71: {  	v11 =	vsub.f32 v11, v5  }
0x72: {  	v10 =	vmul.f32 $1.442695020e+00, v10  }
0x73: {  	v11 =	vmul.f32 $1.442695020e+00, v11  }
0x74: {  	(erf) = vpow2.f32 v10  }
0x75: {  	(erf) = vpow2.f32 v11;
	_ =	sdelay $0x5  }
0x76: {  	v56 =	vpop (erf);
	v6 =	vperm.xlane v6, v3;
	v7 =	vperm.xlane v7, v3  }
0x77: {  	v8 =	vperm.xlane v8, v3;
	v10 =	vperm.xlane v56, v2;
	v57 =	vpop (erf)  }
0x78: {  	v6 =	vsel vm0, v4, v6;
	v60 =	vperm.xlane v9, v3;
	v58 =	vperm.xlane v57, v2;
	v59 =	vpop (erf)  }
0x79: {  	v7 =	vsel vm0, v4, v7;
	v6 =	vmul.f32 v6, v10;
	v11 =	vperm.xlane v59, v2;
	v61 =	vpop (erf)  }
0x7a: {  	[tilespmem:s30+$0x6100] =	vst v12;
	v8 =	vsel vm0, v4, v8;
	v7 =	vmul.f32 v7, v58;
	v62 =	vperm.xlane v61, v2  }
0x7b: {  	v63 =	vsel vm0, v4, v60;
	[tilespmem:s31+$0x6100] =	vst v6;
	v6 =	vmul.f32 v8, v11  }
0x7c: {  	s29 =	sadd.s32 $0x1, s29;
	[tilespmem:s2+$0x6100] =	vst v7;
	v7 =	vmul.f32 v63, v62  }
0x7d: {  	p0 =	sne.s32 s29, $0x51;
	[tilespmem:s0+$0x6100] =	vst v6  }
.Ltmp2:
0x7e: {  	[tilespmem:s1+$0x6100] =	vst v7;
	(pc) =	sbr.rel @p0 .LBB2_4-.Ltmp2, $4  }
0x7f: {  	[spmem:s3] =	stream.indirect.scatter.add.f32 [tilespmem:s17], [sflag:$0x1], $0x10, s23, s24, $0xb8;
	[tilespmem:$0x6910] =	vst v63  }
0x80: {  	_ =	swait.ge [sflag:s18], $0x800  }
0x81: {  	[sflag:s18] =	ssyncset.done $0x0  }
0x82: {  	[sflag:s18] =	ssyncadd.s32 $0xFFFFF800  }
0x83: {  	s5 =	sadd.s32 $0x1, s5  }
0x84: {  	p0 =	sne.s32 s5, s16  }
.Ltmp3:
0x85: {  	[bflag:$0x0] =	sbarrier.arrive $0xFFFF;
	s0 =	sshrl.u32 s8, $0x3;
	(pc) =	sbr.rel @p0 .LBB2_1-.Ltmp3, $4  }
0x86: {  	[hbm:s15], [sflag:s19] =	dma.local [spmem:s0], $0x500  }
0x87: {  	_ =	swait.ge [sflag:s18], $0x500  }
0x88: {  	[sflag:s18] =	ssyncset.done $0x0  }
0x89: {  	[sflag:s18] =	ssyncadd.s32 $0xFFFFFB00  }
0x8a: {  	_ =	sfence.sel $0x180000  }
0x8b: {  	[bflag:$0x0] =	sbarrier.arrive $0xFFFF  }
0x8c: {  	_ =	strace $0x9000004A  }
0x8d: {  	s0 =	stileid.u32;
	[bflag:$0x2] =	sbarrier.arrive $0xFFFF  }
0x8e: {  	p0 =	sne.s32 s0, $0x0;
	s0 =	rddreg [dreg:$0x3]  }
0x8f: {  	s0 =	sadd.s32 @!p0 $0x100000, s0  }
0x90: {  	[sflag:s0] =	ssyncadd.tile.s32 @!p0 $0x1;
	_ =	shalt  }
.Lfunc_end2:
_tile_overlayer_lowered:
.L_overlay_start_2:
0x91: {  	(tag) =	ssettag $0x2  }
0x92: {  	s0 =	rddreg [dreg:$0x0];
	s2 =	stileid.u32  }
0x93: {  	s1 =	rddreg [dreg:$0x1];
	p0 =	sne.s32 s2, $0x0  }
0x94: {  	s3 =	rddreg [dreg:$0x2];
	[bflag:$0x3] =	sbarrier.arrive $0xFFFF;
	s2 =	simm.s32 @!p0 $0x1C01  }
0x95: {  	[timem:s3], [sflag:s2] =	dma.local @!p0 [hbm:s0], s1  }
0x96: {  	s0 =	simm.s32 @!p0 $0x1  }
0x97: {  	_ =	swait.ge @!p0 [sflag:s0], s1  }
0x98: {  	s1 =	ssub.s32 @!p0 $0x0, s1;
	[sflag:s0] =	ssyncset.done @!p0 $0x0  }
0x99: {  	[sflag:s0] =	ssyncadd.s32 @!p0 s1  }
0x9a: {  	[bflag:$0x3] =	sbarrier.arrive $0xFFFF  }
0x9b: {  	_ =	shalt  }

// kernel: kernel.7.cloned.1.call-start
scs
__scs_entry_jumppad:
0x0: {  	(pc) =	sbr.rel $0x88, $3  }
0x1: {  	(tag) =	ssettag $0x0;
	lr =	simm.s32 $0x1  }
0x2: {  	[smem:$0x3F97] =	sst lr;
	_ =	strace $0xD0000000  }
0x3: {  	_ = 	snop  }
0x4: {  	_ = 	snop  }
0x5: {  	_ = 	snop  }
0x6: {  	_ = 	snop  }
0x7: {  	_ = 	snop  }
__scs_overlays_trampoline_lowered:
0x8: {  	[smem:$0x3FA6] =	sst s0  }
0x9: {  	[smem:$0x3FA7] =	sst s1  }
0xa: {  	[smem:$0x3FA8] =	sst s2  }
0xb: {  	[smem:$0x3FA9] =	sst s3  }
0xc: {  	[smem:$0x3FAA] =	sst s4  }
0xd: {  	[smem:$0x3FAB] =	sst s5  }
0xe: {  	[smem:$0x3FAC] =	sst s6  }
0xf: {  	[smem:$0x3FAD] =	sst s7  }
0x10: {  	[smem:$0x3FAE] =	sst s8  }
0x11: {  	[smem:$0x3FAF] =	sst s9;
	s0 =	simm.s32 @!p0 $0x0  }
0x12: {  	s1 =	sld [smem:$0x3F95];
	s0 =	simm.s32 @p0 $0x1  }
0x13: {  	[smem:$0x3FB0] =	sst s0;
	s0 =	simm.s32 @!p1 $0x0  }
0x14: {  	s2 =	sld [smem:$0x3F94];
	s0 =	simm.s32 @p1 $0x1  }
0x15: {  	[smem:$0x3FB1] =	sst s0;
	s0 =	simm.s32 @!p2 $0x0  }
0x16: {  	s3 =	sld [smem:$0x3FDB];
	s0 =	simm.s32 @p2 $0x1  }
0x17: {  	s4 =	simm.s32 $0x1BF5;
	[smem:$0x3FB3] =	sst s0  }
0x18: {  	s0 =	sld [smem:$0x3F96];
	_ =	swait.ge [sflag:s4], $0x0  }
0x19: {  	s7 =	sld [smem:$0x3F97]  }
0x1a: {  	s8 =	sadd.s32 $0xFFFFE003, lr  }
0x1b: {  	s9 =	sadd.s32 $0xFFFFFEF7, lr;
	s5 =	simm.s32 $0xFFFFFFFF;
	p2 =	slt.u32 s8, $0xFFFFF086  }
0x1c: {  	p1 =	slt.u32 s9, $0xF7A;
	s5 =	simm.s32 @!p2 $0x0  }
0x1d: {  	s5 =	simm.s32 @p1 $0x1;
	p0 =	seq.s32 s7, s2  }
0x1e: {  	s7 =	smul.u32 @!p0 $0xF7A, s2;
	p2 =	seq.s32 @!p0 s5, $0x0  }
0x1f: {  	s9 =	smul.u32 $0xF7A, s1;
	s8 =	simm.s32 @!p0 $0x1BF5;
	p2 =	por !p2, p0  }
0x20: {  	[sflag:s8] =	ssyncset.s32 @!p0 $0xFFFFF086;
	s6 =	sadd.s32 @!p0 s3, s7;
	s7 =	simm.s32 @!p0 $0x108  }
0x21: {  	s3 =	sadd.s32 s3, s9;
	s6 =	sadd.s32 @!p0 $0x88, s6;
	s7 =	simm.s32 @p2 $0x1082  }
0x22: {  	[simem:s7], [sflag:s8] =	dma.local @!p0 [hbm:s6], $0xF7A  }
0x23: {  	s9 =	sor.u32 $0xD0000000, s2;
	s6 =	simm.s32 $0x108;
	_ =	swait.ge @!p0 [sflag:s8], $0x0  }
0x24: {  	s3 =	sadd.s32 $0x88, s3;
	s6 =	simm.s32 @!p1 $0x1082;
	[sflag:s4] =	ssyncset.s32 $0xFFFFF086  }
0x25: {  	[simem:s6], [sflag:s4] =	dma.local [hbm:s3], $0xF7A  }
0x26: {  	[smem:$0x3F97] =	sst s1;
	(tag) =	ssettag s2;
	_ =	strace s9  }
0x27: {  	s1 =	sld [smem:$0x3FA7]  }
0x28: {  	s2 =	sld [smem:$0x3FA8]  }
0x29: {  	s4 =	sld [smem:$0x3FAA]  }
0x2a: {  	p0 =	seq.s32 s5, $0x0;
	s5 =	sld [smem:$0x3FAB]  }
0x2b: {  	s6 =	sld [smem:$0x3FAC]  }
0x2c: {  	s7 =	sld [smem:$0x3FAD]  }
0x2d: {  	s3 =	simm.s32 $0x108;
	s8 =	sld [smem:$0x3FAE]  }
0x2e: {  	s3 =	simm.s32 @!p0 $0x1082;
	s9 =	sld [smem:$0x3FAF]  }
0x2f: {  	lr =	sadd.s32 s0, s3;
	s0 =	sld [smem:$0x3FA6]  }
0x30: {  	s3 =	sld [smem:$0x3FA9]  }
0x31: {  	[smem:$0x3FB2] =	sst s10  }
0x32: {  	s10 =	sld [smem:$0x3FB0];
	_ =	sdelay $0x3  }
0x33: {  	p0 =	seq.s32 s10, $0x1;
	s10 =	sld [smem:$0x3FB2];
	_ =	sdelay $0x3  }
0x34: {  	[smem:$0x3FB2] =	sst s10  }
0x35: {  	s10 =	sld [smem:$0x3FB1];
	_ =	sdelay $0x3  }
0x36: {  	p1 =	seq.s32 s10, $0x1;
	s10 =	sld [smem:$0x3FB2];
	_ =	sdelay $0x3  }
0x37: {  	[smem:$0x3FB2] =	sst s10  }
0x38: {  	s10 =	sld [smem:$0x3FB3]  }
0x39: {  	_ = 	snop;
	(pc) =	sbr.ind lr, $3  }
0x3a: {  	_ = 	snop  }
0x3b: {  	_ = 	snop  }
0x3c: {  	p2 =	seq.s32 s10, $0x1;
	s10 =	sld [smem:$0x3FB2]  }
0x3d: {  	_ =	shalt  }
0x3e: {  	_ =	shalt  }
0x3f: {  	_ =	shalt  }
0x40: {  	_ =	shalt  }
0x41: {  	_ =	shalt  }
0x42: {  	_ =	shalt  }
0x43: {  	_ =	shalt  }
0x44: {  	_ =	shalt  }
0x45: {  	_ =	shalt  }
0x46: {  	_ =	shalt  }
0x47: {  	_ =	shalt  }
0x48: {  	_ =	shalt  }
0x49: {  	_ =	shalt  }
0x4a: {  	_ =	shalt  }
0x4b: {  	_ =	shalt  }
0x4c: {  	_ =	shalt  }
0x4d: {  	_ =	shalt  }
0x4e: {  	_ =	shalt  }
0x4f: {  	_ =	shalt  }
0x50: {  	_ =	shalt  }
0x51: {  	_ =	shalt  }
0x52: {  	_ =	shalt  }
0x53: {  	_ =	shalt  }
0x54: {  	_ =	shalt  }
0x55: {  	_ =	shalt  }
0x56: {  	_ =	shalt  }
0x57: {  	_ =	shalt  }
0x58: {  	_ =	shalt  }
0x59: {  	_ =	shalt  }
0x5a: {  	_ =	shalt  }
0x5b: {  	_ =	shalt  }
0x5c: {  	_ =	shalt  }
0x5d: {  	_ =	shalt  }
0x5e: {  	_ =	shalt  }
0x5f: {  	_ =	shalt  }
0x60: {  	_ =	shalt  }
0x61: {  	_ =	shalt  }
0x62: {  	_ =	shalt  }
0x63: {  	_ =	shalt  }
0x64: {  	_ =	shalt  }
0x65: {  	_ =	shalt  }
0x66: {  	_ =	shalt  }
0x67: {  	_ =	shalt  }
0x68: {  	_ =	shalt  }
0x69: {  	_ =	shalt  }
0x6a: {  	_ =	shalt  }
0x6b: {  	_ =	shalt  }
0x6c: {  	_ =	shalt  }
0x6d: {  	_ =	shalt  }
0x6e: {  	_ =	shalt  }
0x6f: {  	_ =	shalt  }
0x70: {  	_ =	shalt  }
0x71: {  	_ =	shalt  }
0x72: {  	_ =	shalt  }
0x73: {  	_ =	shalt  }
0x74: {  	_ =	shalt  }
0x75: {  	_ =	shalt  }
0x76: {  	_ =	shalt  }
0x77: {  	_ =	shalt  }
0x78: {  	_ =	shalt  }
0x79: {  	_ =	shalt  }
0x7a: {  	_ =	shalt  }
0x7b: {  	_ =	shalt  }
0x7c: {  	_ =	shalt  }
0x7d: {  	_ =	shalt  }
0x7e: {  	_ =	shalt  }
0x7f: {  	_ =	shalt  }
0x80: {  	_ =	shalt  }
0x81: {  	_ =	shalt  }
0x82: {  	_ =	shalt  }
0x83: {  	_ =	shalt  }
0x84: {  	_ =	shalt  }
0x85: {  	_ =	shalt  }
0x86: {  	_ =	shalt  }
0x87: {  	_ =	shalt  }
.Lfunc_end0:
.L_simem_size_0:
called_computation_lowered:
.L_overlay_start_0:
0x88: {  	s2 =	sld [smem:$0x3FD9]  }
0x89: {  	s3 =	sld [smem:$0x3FFE];
	_ =	sdelay $0x1  }
0x8a: {  	s1 =	srdreg.scid  }
0x8b: {  	s0 =	sand.u32 $0x1, s1  }
0x8c: {  	s17 =	sshll.u32 s0, $0xA;
	s2 =	sadd.s32 s3, s2  }
0x8d: {  	s2 =	sadd.s32 s2, s17  }
0x8e: {  	[smem:$0x3FBE] =	sst s2  }
0x8f: {  	_ = 	snop  }
0x90: {  	s2 =	sld [smem:$0x3FD0];
	(tm) =	ssettm $0x1  }
0x91: {  	s18 =	sld [smem:$0x3FFB];
	_ =	sdelay $0x3  }
0x92: {  	_ =	strace s18  }
0x93: {  	s3 =	sld [smem:$0x3FFC];
	_ =	sdelay $0x3  }
0x94: {  	_ =	strace s3  }
0x95: {  	s3 =	sld [smem:$0x3FFD];
	_ =	sdelay $0x3  }
0x96: {  	_ =	strace s3  }
0x97: {  	_ =	strace $0x8FFFFFFF  }
0x98: {  	s19 =	sld [smem:$0x3FDB];
	_ =	sdelay $0x1  }
0x99: {  	s4 =	simm.s32 $_scs_section_size  }
0x9a: {  	s5 =	simm.s32 $_size__tile_overlayer_lowered;
	s6 =	simm.s32 $_tile_overlayer_lowered  }
0x9b: {  	s22 =	simm.s32 $0x1BFF;
	s21 =	sshll.u32 s6, $0x1;
	s3 =	sadd.s32 s4, s19  }
0x9c: {  	s7 =	simm.s32 $0x0;
	s20 =	sshll.u32 s5, $0x1;
	s5 =	sadd.s32 s21, s3  }
0x9d: {  	[timem:s7], [sflag:s22] =	dma.local [hbm:s5], s20  }
0x9e: {  	_ =	swait.ge [sflag:s22], s20  }
0x9f: {  	s4 =	ssub.s32 $0x0, s20;
	[sflag:s22] =	ssyncset.done $0x0  }
0xa0: {  	[sflag:s22] =	ssyncadd.s32 s4;
	_ =	sdelay $0x1  }
0xa1: {  	s23 =	simm.s32 $0x1B8B  }
0xa2: {  	_ =	swait.ge [sflag:s23], $0x1  }
0xa3: {  	[sflag:s23] =	ssyncset.done $0x0  }
0xa4: {  	s25 =	simm.s32 $0x1B8E;
	s24 =	sld [smem:$0x3FFE];
	[sflag:s23] =	ssyncadd.s32 $0xFFFFFFFF  }
0xa5: {  	s26 =	simm.s32 $execute0_lowered;
	[smem:$0x3FD2] =	sst s25  }
0xa6: {  	s5 =	sshll.u32 s26, $0x1;
	_ =	strace $0x80000046;
	[dreg:$0x1] =	wrdreg $0xFFFFFFFF  }
0xa7: {  	s28 =	simm.s32 $_size_execute0_lowered;
	s3 =	sadd.s32 s3, s5;
	[dreg:$0x0] =	wrdreg $0x0  }
0xa8: {  	s5 =	sshll.u32 s28, $0x1;
	[dreg:$0x2] =	wrdreg s3  }
0xa9: {  	[dreg:$0x3] =	wrdreg s5  }
0xaa: {  	[dreg:$0x4] =	wrdreg $0xC0  }
0xab: {  	_ =	task [dreg:s7], $0x5FFFF  }
0xac: {  	[dreg:$0x1] =	wrdreg $0xFFFFFFFF  }
0xad: {  	[dreg:$0x0] =	wrdreg $0x60  }
0xae: {  	[dreg:$0x2] =	wrdreg s24  }
0xaf: {  	[dreg:$0x3] =	wrdreg s2  }
0xb0: {  	[dreg:$0x4] =	wrdreg $0x0  }
0xb1: {  	[dreg:$0x5] =	wrdreg $0x140000  }
0xb2: {  	[dreg:$0x6] =	wrdreg $0x9  }
0xb3: {  	_ =	task.clear_ibuf [dreg:s7], $0x7FFFF;
	_ =	strace $0x90000046  }
0xb4: {  	s29 =	simm.s32 $0x9;
	_ =	strace $0x80000048  }
0xb5: {  	_ =	swait.ge [sflag:s29], $0x1  }
0xb6: {  	[sflag:s29] =	ssyncadd.s32 $0xFFFFFFFF  }
0xb7: {  	_ =	strace $0x90000048  }
0xb8: {  	_ =	sfence  }
0xb9: {  	s30 =	sld [smem:$0x0];
	_ =	sdelay $0x2  }
0xba: {  	s31 =	sshll.u32 s1, $0xD;
	s1 =	sshrl.u32 s1, $0x2  }
0xbb: {  	s3 =	sand.u32 $0x4000, s31;
	s1 =	sadd.s32 s1, s30  }
0xbc: {  	s0 =	sor.u32 s3, s0;
	s1 =	sshll.u32 s1, $0x11  }
0xbd: {  	s0 =	sor.u32 s1, s0  }
0xbe: {  	s0 =	sadd.s32 $0x8F2B, s0  }
0xbf: {  	[sflag:s0] =	ssyncadd.remote.s32 $0x1  }
0xc0: {  	_ =	sfence.sel $0xFFFF  }
0xc1: {  	[dreg:$0x0] =	wrdreg $0xFFFFFFFF;
	(pc) =	sbr.abs _section_cstart, $3  }
0xc2: {  	[dreg:$0x1] =	wrdreg $0xFFFFFFFF  }
0xc3: {  	_ =	task.clear_ibuf [dreg:s7], $0x2FFFF;
	_ =	strace $0x9FFFFFFF  }
0xc4: {  	(tm) =	ssettm $0x7FFFFFFF  }
0xc5: {  	_ =	shalt  }
tec
execute0_lowered:
.L_overlay_start_1:
0x0: {  	(tag) =	ssettag $0x1  }
0x1: {  	s1 =	rddreg [dreg:$0x0]  }
0x2: {  	s4 =	rddreg [dreg:$0x2]  }
0x3: {  	s5 =	rddreg [dreg:$0x3]  }
0x4: {  	s0 =	srdreg.scid;
	s16 =	stileid.u32  }
0x5: {  	s6 =	simm.s32 $0x0;
	s29 =	simm.s32 $0x16800;
	s30 =	simm.s32 $0x16880  }
0x6: {  	s31 =	simm.s32 $0x80;
	s0 =	sand.u32 $0x1, s0;
	s2 =	smul.u32 $0x14000, s16  }
0x7: {  	[smem:$0x7FF] =	sst s6;
	s11 =	smul.u32 $0x2800, s16;
	s7 =	sadd.s32 $0x28000, s1  }
0x8: {  	s8 =	sadd.s32 $0x37200, s1;
	s9 =	sadd.s32 $0x2D000, s1;
	s14 =	smul.u32 $0x280, s16  }
0x9: {  	s3 =	smul.u32 $0x140000, s0;
	_ =	strace $0x80000047;
	s12 =	ssub.s32 $0x2, s0  }
0xa: {  	s10 =	smul.u32 $0x28000, s0;
	s0 =	sshll.u32 s0, $0x4;
	s13 =	sshrl.u32 s12, $0x1  }
0xb: {  	s0 =	sor.u32 s16, s0;
	s19 =	sadd.s32 $0x80, s14;
	s21 =	sadd.s32 $0x100, s14  }
0xc: {  	s23 =	sadd.s32 $0x180, s14;
	s26 =	sadd.s32 $0x200, s14;
	s3 =	sadd.s32 s2, s3  }
0xd: {  	s10 =	sadd.s32 s11, s10;
	s12 =	ssub.s32 s12, s13;
	s11 =	sadd.s32 s11, s5  }
0xe: {  	s20 =	sshll.u32 s19, $0x7;
	s22 =	sshll.u32 s21, $0x7;
	s24 =	sshll.u32 s23, $0x7  }
0xf: {  	s25 =	sshll.u32 s23, $0x4;
	s28 =	sshll.u32 s26, $0x7;
	s3 =	sshrl.u32 s3, $0x3  }
0x10: {  	s10 =	sshrl.u32 s10, $0x3;
	s13 =	sadd.s32 s20, s4;
	s18 =	sadd.s32 s28, s4  }
0x11: {  	s20 =	smul.u32 $0x2880, s0;
	s23 =	smax.u32 s12, $0x1;
	s0 =	simm.s32 $0x16900  }
0x12: {  	s3 =	sadd.s32 s3, s1;
	s15 =	sadd.s32 s10, s1;
	s10 =	sadd.s32 s2, s4  }
0x13: {  	s2 =	sshll.u32 s19, $0x4;
	[dreg:$0x5] =	wrdreg s13;
	s13 =	sadd.s32 s22, s4  }
0x14: {  	s2 =	sadd.s32 s2, s5;
	[dreg:$0x7] =	wrdreg s13;
	s13 =	sshll.u32 s26, $0x4  }
0x15: {  	s22 =	sadd.s32 $0x41400, s15;
	[dreg:$0x6] =	wrdreg s2;
	s2 =	sshll.u32 s21, $0x4  }
0x16: {  	v0 =	vimm.f32 $0.0e+00;
	v1 =	vlaneseq.u32;
	s26 =	simm.s32 $0x17900;
	s19 =	sadd.s32 s13, s5;
	s2 =	sadd.s32 s2, s5  }
0x17: {  	v2 =	vimm.s32 $0x0;
	v3 =	vimm.s32 $0x1;
	v4 =	vimm.s32 $0x2;
	s21 =	sadd.s32 $0x4B400, s3;
	[dreg:$0x8] =	wrdreg s2;
	s2 =	sadd.s32 s24, s4  }
0x18: {  	v5 =	vimm.s32 $0x3;
	v6 =	vimm.s32 $0x4;
	v7 =	vimm.s32 $0x5;
	s24 =	simm.s32 $0x18100;
	[dreg:$0x9] =	wrdreg s2;
	s2 =	sadd.s32 s25, s5  }
0x19: {  	v8 =	vimm.s32 $0x6;
	v9 =	vimm.s32 $0x7;
	v1 =	vor.u32 $0x8, v1;
	s25 =	simm.s32 $0x1;
	[dreg:$0xa] =	wrdreg s2;
	s2 =	simm.s32 $0x17100  }
.LBB2_1:
0x1a: {  	s3 =	simm.s32 $0x0;
	s12 =	simm.s32 $0x200  }
.LBB2_2:
0x1b: {  	p0 =	sne.s32 s12, $0xFE00;
	[tilespmem:s3+$0x18170] =	vst v0  }
0x1c: {  	[tilespmem:s3+$0x18100] =	vst v0  }
0x1d: {  	[tilespmem:s3+$0x18110] =	vst v0  }
.Ltmp0:
0x1e: {  	[tilespmem:s3+$0x18120] =	vst v0;
	(pc) =	sbr.rel @p0 .LBB2_2-.Ltmp0, $4  }
0x1f: {  	[tilespmem:s3+$0x18130] =	vst v0  }
0x20: {  	[tilespmem:s3+$0x18140] =	vst v0  }
0x21: {  	[tilespmem:s3+$0x18150] =	vst v0  }
0x22: {  	[tilespmem:s3+$0x18160] =	vst v0;
	s3 =	sshra.s32 s12, $0x2;
	s12 =	sadd.s32 $0x200, s12  }
0x23: {  	[tilespmem:s3+$0x18170] =	vst v0  }
0x24: {  	[tilespmem:s3+$0x18100] =	vst v0  }
0x25: {  	[tilespmem:s3+$0x18110] =	vst v0  }
0x26: {  	[tilespmem:s3+$0x18120] =	vst v0  }
0x27: {  	[tilespmem:s3+$0x18130] =	vst v0  }
0x28: {  	[tilespmem:s3+$0x18140] =	vst v0  }
0x29: {  	[tilespmem:s3+$0x18150] =	vst v0  }
0x2a: {  	[tilespmem:s3+$0x18160] =	vst v0;
	s3 =	simm.s32 $0x40;
	s12 =	simm.s32 $0x0  }
.LBB2_4:
0x2b: {  	p0 =	sne.s32 s3, $0x1FC0;
	[tilespmem:s12+$0x17900] =	vst v0;
	s12 =	smov.u32 s3;
	s3 =	sadd.s32 $0x40, s3  }
.Ltmp1:
0x2c: {  	(pc) =	sbr.rel @p0 .LBB2_4-.Ltmp1, $2  }
0x2d: {  	_ =	sdelay $0x2  }
0x2e: {  	s12 =	sshra.s32 s12, $0x2  }
0x2f: {  	[tilespmem:s12+$0x17900] =	vst v0  }
0x30: {  	[spmem:s10] =	stream.linear.scatter [tilespmem:s24], [sflag:$0x1], $0x4000, $0x38;
	[tilespmem:$0x1C110] =	vst v63  }
0x31: {  	_ =	swait.ge [sflag:s25], $0x4000  }
0x32: {  	[sflag:s25] =	ssyncset.done $0x0  }
0x33: {  	[sflag:s25] =	ssyncadd.s32 $0xFFFFC000  }
0x34: {  	[spmem:s11] =	stream.linear.scatter [tilespmem:s26], [sflag:$0x1], $0x800, $0x38;
	[tilespmem:$0x1C110] =	vst v63  }
0x35: {  	_ =	swait.ge [sflag:s25], $0x800  }
0x36: {  	[sflag:s25] =	ssyncset.done $0x0  }
0x37: {  	s3 =	rddreg [dreg:$0x5];
	[sflag:s25] =	ssyncadd.s32 $0xFFFFF800  }
0x38: {  	[spmem:s3] =	stream.linear.scatter [tilespmem:s24], [sflag:$0x1], $0x4000, $0x38;
	[tilespmem:$0x1C110] =	vst v63  }
0x39: {  	_ =	swait.ge [sflag:s25], $0x4000  }
0x3a: {  	[sflag:s25] =	ssyncset.done $0x0  }
0x3b: {  	s12 =	rddreg [dreg:$0x6];
	[sflag:s25] =	ssyncadd.s32 $0xFFFFC000  }
0x3c: {  	[spmem:s12] =	stream.linear.scatter [tilespmem:s26], [sflag:$0x1], $0x800, $0x38;
	[tilespmem:$0x1C110] =	vst v63  }
0x3d: {  	_ =	swait.ge [sflag:s25], $0x800  }
0x3e: {  	[sflag:s25] =	ssyncset.done $0x0  }
0x3f: {  	s13 =	rddreg [dreg:$0x7];
	[sflag:s25] =	ssyncadd.s32 $0xFFFFF800  }
0x40: {  	[spmem:s13] =	stream.linear.scatter [tilespmem:s24], [sflag:$0x1], $0x4000, $0x38;
	[tilespmem:$0x1C110] =	vst v63  }
0x41: {  	_ =	swait.ge [sflag:s25], $0x4000  }
0x42: {  	[sflag:s25] =	ssyncset.done $0x0  }
0x43: {  	s14 =	rddreg [dreg:$0x8];
	[sflag:s25] =	ssyncadd.s32 $0xFFFFC000  }
0x44: {  	[spmem:s14] =	stream.linear.scatter [tilespmem:s26], [sflag:$0x1], $0x800, $0x38;
	[tilespmem:$0x1C110] =	vst v63  }
0x45: {  	_ =	swait.ge [sflag:s25], $0x800  }
0x46: {  	[sflag:s25] =	ssyncset.done $0x0  }
0x47: {  	s15 =	rddreg [dreg:$0x9];
	[sflag:s25] =	ssyncadd.s32 $0xFFFFF800  }
0x48: {  	[spmem:s15] =	stream.linear.scatter [tilespmem:s24], [sflag:$0x1], $0x4000, $0x38;
	[tilespmem:$0x1C110] =	vst v63  }
0x49: {  	_ =	swait.ge [sflag:s25], $0x4000  }
0x4a: {  	[sflag:s25] =	ssyncset.done $0x0  }
0x4b: {  	s16 =	rddreg [dreg:$0xa];
	[sflag:s25] =	ssyncadd.s32 $0xFFFFC000  }
0x4c: {  	[spmem:s16] =	stream.linear.scatter [tilespmem:s26], [sflag:$0x1], $0x800, $0x38;
	[tilespmem:$0x1C110] =	vst v63  }
0x4d: {  	_ =	swait.ge [sflag:s25], $0x800  }
0x4e: {  	[sflag:s25] =	ssyncset.done $0x0  }
0x4f: {  	[sflag:s25] =	ssyncadd.s32 $0xFFFFF800  }
0x50: {  	[spmem:s18] =	stream.linear.scatter [tilespmem:s24], [sflag:$0x1], $0x4000, $0x38;
	[tilespmem:$0x1C110] =	vst v63  }
0x51: {  	_ =	swait.ge [sflag:s25], $0x4000  }
0x52: {  	[sflag:s25] =	ssyncset.done $0x0  }
0x53: {  	[sflag:s25] =	ssyncadd.s32 $0xFFFFC000  }
0x54: {  	[spmem:s19] =	stream.linear.scatter [tilespmem:s26], [sflag:$0x1], $0x800, $0x38;
	[tilespmem:$0x1C110] =	vst v63  }
0x55: {  	_ =	swait.ge [sflag:s25], $0x800  }
0x56: {  	[sflag:s25] =	ssyncset.done $0x0  }
0x57: {  	[sflag:s25] =	ssyncadd.s32 $0xFFFFF800  }
0x58: {  	s3 =	simm.s32 $0x0;
	s13 =	simm.s32 $0x1C100;
	s17 =	rddreg [dreg:$0x1]  }
0x59: {  	[tilespmem:s13], [sflag:$0x1] =	stream.linear.gather [hbm4b:s17+s3], $0x10, $0x38;
	[tilespmem:$0x1C110] =	vst v63  }
0x5a: {  	_ =	swait.ge [sflag:s25], $0x10  }
0x5b: {  	[sflag:s25] =	ssyncset.done $0x0  }
0x5c: {  	[sflag:s25] =	ssyncadd.s32 $0xFFFFFFF0  }
0x5d: {  	[bflag:$0x0] =	sbarrier.arrive $0xFFFF  }
0x5e: {  	v10 =	vld [tilespmem:$0x1C100];
	_ =	sdelay $0x2  }
0x5f: {  	s28 =	simm.s32 $0x0  }
.LBB2_6:
0x60: {  	s12 =	sshll.u32 s28, $0x7  }
0x61: {  	s12 =	sadd.s32 s20, s12  }
0x62: {  	s12 =	sshrl.u32 s12, $0x3  }
0x63: {  	s13 =	sadd.s32 s8, s12  }
0x64: {  	[tilespmem:s29], [sflag:$0x1] =	stream.linear.gather [hbm4b:s13+s3], $0x80, $0x38;
	[tilespmem:$0x1C110] =	vst v63  }
0x65: {  	_ =	swait.ge [sflag:s25], $0x80  }
0x66: {  	[sflag:s25] =	ssyncset.done $0x0  }
0x67: {  	s12 =	sadd.s32 s9, s12;
	[sflag:s25] =	ssyncadd.s32 $0xFFFFFF80  }
0x68: {  	[tilespmem:s30], [sflag:$0x1] =	stream.linear.gather [hbm4b:s12+s3], $0x80, $0x38;
	[tilespmem:$0x1C110] =	vst v63  }
0x69: {  	_ =	swait.ge [sflag:s25], $0x80  }
0x6a: {  	[sflag:s25] =	ssyncset.done $0x0  }
0x6b: {  	[sflag:s25] =	ssyncadd.s32 $0xFFFFFF80  }
0x6c: {  	[tilespmem:s0], [sflag:$0x1] =	stream.indirect.gather [hbm4b:s7+s31], $0x10, s29, s31, $0xb8;
	[tilespmem:$0x1C110] =	vst v63  }
0x6d: {  	_ =	swait.ge [sflag:s25], $0x800  }
0x6e: {  	[sflag:s25] =	ssyncset.done $0x0  }
0x6f: {  	[sflag:s25] =	ssyncadd.s32 $0xFFFFF800  }
0x70: {  	[tilespmem:s2], [sflag:$0x1] =	stream.indirect.gather [hbm4b:s7+s31], $0x10, s30, s31, $0xb8;
	[tilespmem:$0x1C110] =	vst v63  }
0x71: {  	_ =	swait.ge [sflag:s25], $0x800  }
0x72: {  	[sflag:s25] =	ssyncset.done $0x0  }
0x73: {  	[sflag:s25] =	ssyncadd.s32 $0xFFFFF800  }
0x74: {  	[tilespmem:s24], [sflag:$0x1] =	stream.indirect.gather [hbm4b:s1+s31], $0x80, s29, s31, $0xb8;
	[tilespmem:$0x1C110] =	vst v63  }
0x75: {  	_ =	swait.ge [sflag:s25], $0x4000  }
0x76: {  	[sflag:s25] =	ssyncset.done $0x0  }
0x77: {  	s12 =	simm.s32 $0x0;
	[sflag:s25] =	ssyncadd.s32 $0xFFFFC000  }
0x78: {  	s13 =	simm.s32 $0x10;
	v11 =	vld [tilespmem:s12+$0x17100]  }
0x79: {  	v12 =	vld [tilespmem:s13+$0x17100]  }
0x7a: {  	v13 =	vld [tilespmem:s12+$0x16900];
	_ =	sdelay $0x1  }
0x7b: {  	v14 =	vld [tilespmem:s13+$0x16900]  }
0x7c: {  	v11 =	vperm.xlane v11, v1;
	_ =	sdelay $0x1  }
0x7d: {  	v12 =	vperm.xlane v12, v1;
	v11 =	vadd.f32 v11, v13;
	_ =	sdelay $0x1  }
0x7e: {  	s14 =	simm.s32 $0x20;
	v12 =	vadd.f32 v12, v14;
	v14 =	vmul.f32 $2.000000030e-01, v11  }
0x7f: {  	v13 =	vld [tilespmem:s14+$0x17100]  }
0x80: {  	v11 =	vmax.f32 v11, v14  }
0x81: {  	v15 =	vld [tilespmem:s14+$0x16900];
	v16 =	vmul.f32 $2.000000030e-01, v12;
	v11 =	vsub.f32 v11, v10;
	_ =	sdelay $0x1  }
0x82: {  	v12 =	vmax.f32 v12, v16;
	v14 =	vmul.f32 $1.442695020e+00, v11  }
0x83: {  	v13 =	vperm.xlane v13, v1;
	v12 =	vsub.f32 v12, v10  }
0x84: {  	(erf) = vpow2.f32 v14  }
0x85: {  	s15 =	simm.s32 $0x30;
	v11 =	vadd.f32 v13, v15;
	v15 =	vmul.f32 $1.442695020e+00, v12  }
0x86: {  	v12 =	vld [tilespmem:s15+$0x17100]  }
0x87: {  	(erf) = vpow2.f32 v15  }
0x88: {  	v13 =	vld [tilespmem:s15+$0x16900]  }
0x89: {  	v14 =	vmul.f32 $2.000000030e-01, v11  }
0x8a: {  	s16 =	simm.s32 $0x100  }
.LBB2_7:
0x8b: {  	s17 =	sshra.s32 s16, $0x2;
	p0 =	sne.s32 s16, $0x1FC0;
	s16 =	sadd.s32 $0x40, s16;
	v16 =	vperm.xlane v12, v1;
	v11 =	vmax.f32 v11, v14  }
.Ltmp2:
0x8c: {  	v12 =	vld [tilespmem:s17+$0x17100];
	v14 =	vsub.f32 v11, v10;
	(pc) =	sbr.rel @p0 .LBB2_7-.Ltmp2, $4  }
0x8d: {  	v11 =	vadd.f32 v16, v13;
	v15 =	vpop (erf)  }
0x8e: {  	v13 =	vld [tilespmem:s17+$0x16900];
	v16 =	vmul.f32 $1.442695020e+00, v14;
	[tilespmem:s12+$0x17900] =	vst v15;
	s12 =	smov.u32 s13;
	s13 =	smov.u32 s14;
	s14 =	smov.u32 s15  }
0x8f: {  	s15 =	smov.u32 s17;
	v14 =	vmul.f32 $2.000000030e-01, v11  }
0x90: {  	(erf) = vpow2.f32 v16  }
0x91: {  	v12 =	vperm.xlane v12, v1;
	_ =	sdelay $0x1  }
0x92: {  	v12 =	vadd.f32 v12, v13;
	_ =	sdelay $0x1  }
0x93: {  	v13 =	vmul.f32 $2.000000030e-01, v12  }
0x94: {  	v11 =	vmax.f32 v11, v14  }
0x95: {  	v11 =	vsub.f32 v11, v10;
	v12 =	vmax.f32 v12, v13  }
0x96: {  	v12 =	vsub.f32 v12, v10  }
0x97: {  	v11 =	vmul.f32 $1.442695020e+00, v11  }
0x98: {  	v12 =	vmul.f32 $1.442695020e+00, v12  }
0x99: {  	(erf) = vpow2.f32 v11  }
0x9a: {  	(erf) = vpow2.f32 v12;
	_ =	sdelay $0x5  }
0x9b: {  	v11 =	vpop (erf)  }
0x9c: {  	v63 =	vpop (erf);
	[tilespmem:s12+$0x17900] =	vst v11  }
0x9d: {  	[tilespmem:s13+$0x17900] =	vst v63;
	v11 =	vpop (erf)  }
0x9e: {  	[tilespmem:s14+$0x17900] =	vst v11;
	v11 =	vpop (erf)  }
0x9f: {  	[tilespmem:s15+$0x17900] =	vst v11  }
0xa0: {  	[spmem:s5] =	stream.indirect.scatter.add.f32 [tilespmem:s26], [sflag:$0x1], $0x10, s30, s31, $0xb8;
	[tilespmem:$0x1C110] =	vst v63  }
0xa1: {  	_ =	swait.ge [sflag:s25], $0x800  }
0xa2: {  	[sflag:s25] =	ssyncset.done $0x0  }
0xa3: {  	s12 =	simm.s32 $0x18140;
	[sflag:s25] =	ssyncadd.s32 $0xFFFFF800  }
0xa4: {  	s13 =	simm.s32 $0x18140;
	s14 =	simm.s32 $0x40;
	s15 =	simm.s32 $0x0;
	v11 =	vld [tilespmem:s12+$0xFFFFFFF0]  }
.LBB2_9:
0xa5: {  	p0 =	sne.s32 s14, $0x1FC0;
	v12 =	vld [tilespmem:s15+$0x17900]  }
0xa6: {  	v13 =	vld [tilespmem:s12+$0xFFFFFFD0]  }
0xa7: {  	v14 =	vld [tilespmem:s12+$0xFFFFFFC0]  }
0xa8: {  	v15 =	vld [tilespmem:s12+$0xFFFFFFE0]  }
0xa9: {  	v16 =	vld [tilespmem:s12+$0x30]  }
0xaa: {  	v17 =	vperm.xlane v12, v2;
	v18 =	vperm.xlane v12, v3;
	v19 =	vld [tilespmem:s12+$0x10]  }
0xab: {  	v20 =	vperm.xlane v12, v4;
	v21 =	vperm.xlane v12, v5;
	v22 =	vld [tilespmem:s12+$0x0]  }
0xac: {  	v14 =	vmul.f32 v14, v17;
	v13 =	vmul.f32 v13, v18;
	v17 =	vld [tilespmem:s12+$0x20]  }
0xad: {  	v11 =	vmul.f32 v11, v21;
	v15 =	vmul.f32 v15, v20  }
0xae: {  	v18 =	vperm.xlane v12, v7;
	[tilespmem:s12+$0xFFFFFFC0] =	vst v14;
	v14 =	vperm.xlane v12, v6  }
0xaf: {  	[tilespmem:s12+$0xFFFFFFD0] =	vst v13;
	v13 =	vperm.xlane v12, v8;
	v12 =	vperm.xlane v12, v9  }
0xb0: {  	[tilespmem:s12+$0xFFFFFFE0] =	vst v15;
	v14 =	vmul.f32 v22, v14;
	v15 =	vmul.f32 v19, v18  }
.Ltmp3:
0xb1: {  	[tilespmem:s12+$0xFFFFFFF0] =	vst v11;
	v11 =	vmul.f32 v17, v13;
	v12 =	vmul.f32 v16, v12;
	(pc) =	sbr.rel @p0 .LBB2_9-.Ltmp3, $4  }
0xb2: {  	[tilespmem:s12+$0x0] =	vst v14  }
0xb3: {  	[tilespmem:s12+$0x10] =	vst v15  }
0xb4: {  	s12 =	sadd.s32 $0x80, s12;
	[tilespmem:s13+$0x20] =	vst v11  }
0xb5: {  	s15 =	sshra.s32 s14, $0x2;
	s14 =	sadd.s32 $0x40, s14;
	v11 =	vld [tilespmem:s12+$0xFFFFFFF0];
	[tilespmem:s13+$0x30] =	vst v12;
	s13 =	smov.u32 s12  }
0xb6: {  	v12 =	vld [tilespmem:s15+$0x17900];
	_ =	sdelay $0x1  }
0xb7: {  	v13 =	vld [tilespmem:s12+$0xFFFFFFC0]  }
0xb8: {  	v14 =	vld [tilespmem:s12+$0xFFFFFFD0]  }
0xb9: {  	v15 =	vld [tilespmem:s12+$0xFFFFFFE0]  }
0xba: {  	v16 =	vperm.xlane v12, v2  }
0xbb: {  	v19 =	vld [tilespmem:s12+$0x10];
	v17 =	vperm.xlane v12, v3  }
0xbc: {  	v18 =	vld [tilespmem:s12+$0x0];
	v20 =	vperm.xlane v12, v4;
	v13 =	vmul.f32 v13, v16  }
0xbd: {  	v59 =	vld [tilespmem:s12+$0x20];
	v58 =	vperm.xlane v12, v5;
	v14 =	vmul.f32 v14, v17  }
0xbe: {  	v21 =	vld [tilespmem:s12+$0x30];
	v61 =	vperm.xlane v12, v7;
	v15 =	vmul.f32 v15, v20;
	[tilespmem:s12+$0xFFFFFFC0] =	vst v13  }
0xbf: {  	v60 =	vperm.xlane v12, v6;
	v11 =	vmul.f32 v11, v58;
	[tilespmem:s12+$0xFFFFFFD0] =	vst v14  }
0xc0: {  	v62 =	vperm.xlane v12, v8;
	v63 =	vmul.f32 v19, v61;
	[tilespmem:s12+$0xFFFFFFE0] =	vst v15  }
0xc1: {  	v12 =	vperm.xlane v12, v9;
	v13 =	vmul.f32 v18, v60;
	[tilespmem:s12+$0xFFFFFFF0] =	vst v11  }
0xc2: {  	v11 =	vmul.f32 v59, v62;
	[tilespmem:s12+$0x10] =	vst v63  }
0xc3: {  	s28 =	sadd.s32 $0x1, s28;
	v12 =	vmul.f32 v21, v12;
	[tilespmem:s12+$0x0] =	vst v13  }
0xc4: {  	p0 =	sne.s32 s28, $0x51;
	[tilespmem:s13+$0x20] =	vst v11  }
.Ltmp4:
0xc5: {  	[tilespmem:s13+$0x30] =	vst v12;
	(pc) =	sbr.rel @p0 .LBB2_6-.Ltmp4, $4  }
0xc6: {  	[spmem:s4] =	stream.indirect.scatter.add.f32 [tilespmem:s24], [sflag:$0x1], $0x80, s30, s31, $0xb8;
	[tilespmem:$0x1C110] =	vst v63  }
0xc7: {  	_ =	swait.ge [sflag:s25], $0x4000  }
0xc8: {  	[sflag:s25] =	ssyncset.done $0x0  }
0xc9: {  	[sflag:s25] =	ssyncadd.s32 $0xFFFFC000  }
0xca: {  	s3 =	stileid.u32  }
0xcb: {  	s3 =	sshll.u32 s3, $0x6  }
0xcc: {  	[bflag:$0x0] =	sbarrier.arrive $0xFFFF;
	s12 =	sshrl.u32 s10, $0x3;
	s3 =	sor.u32 $0x1C01, s3  }
0xcd: {  	[hbm:s21], [sflag:s3] =	dma.local [spmem:s12], $0x2800  }
0xce: {  	s6 =	sadd.s32 $0x1, s6;
	_ =	swait.ge [sflag:s25], $0x2800  }
0xcf: {  	p0 =	sne.s32 s6, s23;
	[sflag:s25] =	ssyncset.done $0x0  }
.Ltmp5:
0xd0: {  	s28 =	sshrl.u32 s11, $0x3;
	[sflag:s25] =	ssyncadd.s32 $0xFFFFD800;
	(pc) =	sbr.rel @p0 .LBB2_1-.Ltmp5, $4  }
0xd1: {  	[hbm:s22], [sflag:s3] =	dma.local [spmem:s28], $0x500  }
0xd2: {  	_ =	swait.ge [sflag:s25], $0x500  }
0xd3: {  	[sflag:s25] =	ssyncset.done $0x0  }
0xd4: {  	[sflag:s25] =	ssyncadd.s32 $0xFFFFFB00  }
0xd5: {  	_ =	sfence.sel $0x180000  }
0xd6: {  	[bflag:$0x0] =	sbarrier.arrive $0xFFFF  }
0xd7: {  	_ =	strace $0x90000047  }
0xd8: {  	s0 =	stileid.u32;
	[bflag:$0x2] =	sbarrier.arrive $0xFFFF  }
0xd9: {  	p0 =	sne.s32 s0, $0x0;
	s0 =	rddreg [dreg:$0x4]  }
0xda: {  	s0 =	sadd.s32 @!p0 $0x100000, s0  }
0xdb: {  	[sflag:s0] =	ssyncadd.tile.s32 @!p0 $0x1;
	_ =	shalt  }
.Lfunc_end2:
_tile_overlayer_lowered:
.L_overlay_start_2:
0xdc: {  	(tag) =	ssettag $0x2  }
0xdd: {  	s0 =	rddreg [dreg:$0x0];
	s2 =	stileid.u32  }
0xde: {  	s1 =	rddreg [dreg:$0x1];
	p0 =	sne.s32 s2, $0x0  }
0xdf: {  	s3 =	rddreg [dreg:$0x2];
	[bflag:$0x3] =	sbarrier.arrive $0xFFFF;
	s2 =	simm.s32 @!p0 $0x1C01  }
0xe0: {  	[timem:s3], [sflag:s2] =	dma.local @!p0 [hbm:s0], s1  }
0xe1: {  	s0 =	simm.s32 @!p0 $0x1  }
0xe2: {  	_ =	swait.ge @!p0 [sflag:s0], s1  }
0xe3: {  	s1 =	ssub.s32 @!p0 $0x0, s1;
	[sflag:s0] =	ssyncset.done @!p0 $0x0  }
0xe4: {  	[sflag:s0] =	ssyncadd.s32 @!p0 s1  }
0xe5: {  	[bflag:$0x3] =	sbarrier.arrive $0xFFFF  }
0xe6: {  	_ =	shalt  }

</sc_bundles>
